<compile_context>
chip_gen: v7x
topology: tpu7x:2x2x1
jax: 0.10.2.dev20260603
libtpu: 0.0.44.dev20260713+nightly
codegen_flags: <defaults>
</compile_context>

<pallas_src>
import functools

import jax
import jax.numpy as jnp
from jax import lax
from jax.experimental import pallas as pl
from jax.experimental.pallas import tpu as pltpu
from jax.experimental.pallas import tpu_sc as plsc

_N = 8388608
_NB = 512
_NC = 2
_NS = 16
_NW = _NC * _NS
_L = 16
_PER_TILE = _N // _NW
_CH = 8192
_BANK = _NS * _NB
_ACC_WORDS = 4 * _BANK


def _stats_kernel(yp_hbm, yt_hbm, b_hbm, out_hbm, b_v, yt_v, yp_v, acc, ostage):
    wid = lax.axis_index("s") * _NC + lax.axis_index("c")
    base = wid * _PER_TILE
    lane_base = lax.iota(jnp.int32, _L) * _NB
    ones = jnp.ones((_L,), jnp.float32)
    zeros = jnp.zeros((_L,), jnp.float32)

    def zero_body(i, carry):
        acc[pl.ds(i * _L, _L)] = zeros
        return carry

    lax.fori_loop(0, _ACC_WORDS // _L, zero_body, None)

    def chunk_body(g, carry):
        off = base + g * _CH
        pltpu.sync_copy(b_hbm.at[pl.ds(off, _CH)], b_v)
        pltpu.sync_copy(yt_hbm.at[pl.ds(off, _CH)], yt_v)
        pltpu.sync_copy(yp_hbm.at[pl.ds(off, _CH)], yp_v)

        def vec_body(k, c2):
            s = pl.ds(k * _L, _L)
            idx = lane_base + b_v[s]
            yt = yt_v[s]
            yp = yp_v[s]
            d = yt - yp
            plsc.addupdate_scatter(acc, [idx], ones)
            plsc.addupdate_scatter(acc, [idx + _BANK], yt)
            plsc.addupdate_scatter(acc, [idx + 2 * _BANK], yt * yt)
            plsc.addupdate_scatter(acc, [idx + 3 * _BANK], d * d)
            return c2

        lax.fori_loop(0, _CH // _L, vec_body, None)
        return carry

    lax.fori_loop(0, _PER_TILE // _CH, chunk_body, None)

    for st in range(4):
        def red_body(c, carry, st=st):
            v = acc[pl.ds(st * _BANK + c * _L, _L)]
            for l in range(1, _NS):
                v = v + acc[pl.ds(st * _BANK + l * _NB + c * _L, _L)]
            ostage[pl.ds(st * _NB + c * _L, _L)] = v
            return carry

        lax.fori_loop(0, _NB // _L, red_body, None)

    pltpu.sync_copy(ostage, out_hbm.at[pl.ds(wid * 4 * _NB, 4 * _NB)])


@jax.jit
def _partials(y_pred, y_true, basin):
    mesh = plsc.VectorSubcoreMesh(core_axis_name="c", subcore_axis_name="s")
    return pl.kernel(
        _stats_kernel,
        out_type=jax.ShapeDtypeStruct((_NW * 4 * _NB,), jnp.float32),
        mesh=mesh,
        compiler_params=pltpu.CompilerParams(needs_layout_passes=False),
        scratch_types=[
            pltpu.VMEM((_CH,), jnp.int32),
            pltpu.VMEM((_CH,), jnp.float32),
            pltpu.VMEM((_CH,), jnp.float32),
            pltpu.VMEM((_ACC_WORDS,), jnp.float32),
            pltpu.VMEM((4 * _NB,), jnp.float32),
        ],
    )(y_pred, y_true, basin)


def kernel(y_pred, y_true, basin):
    p = _partials(y_pred, y_true, basin).reshape(_NW, 4, _NB).sum(axis=0)
    counts, s1, s2, ssres = p[0], p[1], p[2], p[3]
    present = counts > 0
    ss_tot = s2 - s1 * s1 / counts
    nse = 1.0 - ssres / (ss_tot + 1e-10)
    nse = jnp.where(present, nse, jnp.zeros_like(nse))
    return jnp.sum(nse) / jnp.sum(present)

# --- scband reference (transcript-rebuilt; emitter-appended) ---
"""Pipeline reference for scband-mean-nse-47553877901938 (READ-ONLY COPY).

The authoritative reference and input builder live on the scoring server;
editing this copy changes nothing except your own understanding.
"""

import jax, jax.numpy as jnp
import numpy as np

N = 8388608
NUM_BASINS = 512


def setup_inputs(seed: int = 0) -> dict:
    key = jax.random.key(seed)
    k1, k2, k3 = jax.random.split(key, 3)
    y_pred = jax.random.normal(k1, (N,), dtype=jnp.float32)
    y_true = jax.random.normal(k2, (N,), dtype=jnp.float32)
    basin = jax.random.randint(k3, (N,), 0, NUM_BASINS, dtype=jnp.int32)
    return {"y_pred": y_pred, "y_true": y_true, "basin": basin}


def reference(y_pred, y_true, basin):
    # Faithful port of MeanNSE.forward
    yp = jnp.ravel(y_pred)
    yt = jnp.ravel(y_true)
    b = jnp.ravel(basin)
    counts = jnp.bincount(b, length=NUM_BASINS)
    present = counts > 0
    counts_f = counts.astype(yt.dtype)
    # per-basin mean of y_true
    y_mean = jnp.bincount(b, weights=yt, length=NUM_BASINS) / counts_f
    # per-basin residual sum of squares
    SS_res = jnp.bincount(b, weights=jnp.square(yt - yp), length=NUM_BASINS)
    # per-basin total sum of squares
    SS_tot = jnp.bincount(b, weights=jnp.square(yt - y_mean[b]), length=NUM_BASINS)
    nse = 1.0 - SS_res / (SS_tot + 1e-10)
    nse = jnp.where(present, nse, jnp.zeros_like(nse))
    return jnp.sum(nse) / jnp.sum(present)

if __name__ == "__main__":
    import jax
    _d = setup_inputs()
    print(jax.jit(kernel)(*tuple(_d.values())))

</pallas_src>

<mosaic_0001>
#map = affine_map<(d0, d1) -> (0)>
module attributes {stable_mosaic.version = 14 : i64} {
  func.func @_stats_kernel(%arg0: i32, %arg1: i32, %arg2: memref<8388608xf32, #tpu.memory_space<hbm>>, %arg3: memref<8388608xf32, #tpu.memory_space<hbm>>, %arg4: memref<8388608xi32, #tpu.memory_space<hbm>>, %arg5: memref<65536xf32, #tpu.memory_space<hbm>>, %arg6: memref<8192xi32, #tpu.memory_space<vmem>>, %arg7: memref<8192xf32, #tpu.memory_space<vmem>>, %arg8: memref<8192xf32, #tpu.memory_space<vmem>>, %arg9: memref<32768xf32, #tpu.memory_space<vmem>>, %arg10: memref<2048xf32, #tpu.memory_space<vmem>>) attributes {dimension_semantics = [#tpu.dimension_semantics<core_parallel>, #tpu.dimension_semantics<subcore_parallel>], iteration_bounds = array<i64: 2, 16>, scalar_prefetch = 0 : i64, scratch_operands = 5 : i64, tpu.core_type = #tpu.core_type<sc_vector_subcore>, window_params = [{transform_indices = #map}, {transform_indices = #map}, {transform_indices = #map}, {transform_indices = #map}]} {
    %mul3A = arith.constant 2 : i32
    %mul3A_0 = arith.muli %arg1, %mul3A : i32
    %add3A = arith.addi %mul3A_0, %arg0 : i32
    %mul3A_1 = arith.constant 262144 : i32
    %mul3A_2 = arith.muli %add3A, %mul3A_1 : i32
    %iota3A = tpu.iota {dimensions = array<i32: 0>} : vector<16xi32>
    %mul3A_3 = arith.constant 512 : i32
    %mul3A_4 = vector.broadcast %mul3A_3 : i32 to vector<16xi32>
    %mul3A_5 = arith.muli %iota3A, %mul3A_4 : vector<16xi32>
    %broadcast_in_dim3A = arith.constant 1.000000e+00 : f32
    %broadcast_in_dim3A_6 = vector.broadcast %broadcast_in_dim3A : f32 to vector<16xf32>
    %broadcast_in_dim3A_7 = arith.constant 0.000000e+00 : f32
    %broadcast_in_dim3A_8 = vector.broadcast %broadcast_in_dim3A_7 : f32 to vector<16xf32>
    %scan3A = arith.constant 0 : i32
    %scan3A_9 = arith.constant 2048 : i32
    %scan3A_10 = arith.addi %scan3A, %scan3A_9 : i32
    %scan3A_11 = arith.constant 1 : i32
    scf.for %scan3A_42 = %scan3A to %scan3A_10 step %scan3A_11  : i32 {
      %mul3A_43 = arith.constant 16 : i32
      %mul3A_44 = arith.muli %scan3A_42, %mul3A_43 : i32
      %swap3A = arith.index_cast %mul3A_44 : i32 to index
      %swap3A_45 = tpu.vector_load %arg9[%swap3A] {strides = array<i32>} : memref<32768xf32, #tpu.memory_space<vmem>>, vector<16xf32>,
      tpu.vector_store %arg9[%swap3A], %broadcast_in_dim3A_8 {strides = array<i32>} : memref<32768xf32, #tpu.memory_space<vmem>>, vector<16xf32>,
    }
    %scan3A_12 = arith.constant 2048 : i32
    %scan3A_13 = arith.constant 0 : i32
    %scan3A_14 = arith.constant 32 : i32
    %scan3A_15 = arith.addi %scan3A_13, %scan3A_14 : i32
    %scan3A_16 = arith.constant 1 : i32
    scf.for %scan3A_42 = %scan3A_13 to %scan3A_15 step %scan3A_16  : i32 {
      %mul3A_43 = arith.constant 8192 : i32
      %mul3A_44 = arith.muli %scan3A_42, %mul3A_43 : i32
      %add3A_45 = arith.addi %mul3A_2, %mul3A_44 : i32
      "tpu.region"() ({
        %run_scoped3A = tpu.sem_alloc : memref<!tpu.dma_semaphore, #tpu.memory_space<semaphore_mem>>
        %dma_start3A = tpu.memref_slice %arg4[%add3A_45] : memref<8388608xi32, #tpu.memory_space<hbm>> -> memref<8192xi32, #tpu.memory_space<hbm>>
        %dma_start3A_51 = tpu.memref_slice %arg4[%add3A_45] : memref<8388608xi32, #tpu.memory_space<hbm>> -> memref<8192xi32, #tpu.memory_space<hbm>>
        tpu.enqueue_dma source(%dma_start3A_51 : memref<8192xi32, #tpu.memory_space<hbm>>) target(%arg6 : memref<8192xi32, #tpu.memory_space<vmem>>) target_semaphore(%run_scoped3A : memref<!tpu.dma_semaphore, #tpu.memory_space<semaphore_mem>>)
        %dma_wait3A = tpu.memref_slice %arg4[%add3A_45] : memref<8388608xi32, #tpu.memory_space<hbm>> -> memref<8192xi32, #tpu.memory_space<hbm>>
        %dma_wait3A_52 = tpu.memref_slice %arg4[%add3A_45] : memref<8388608xi32, #tpu.memory_space<hbm>> -> memref<8192xi32, #tpu.memory_space<hbm>>
        tpu.wait_dma2 semaphore(%run_scoped3A : memref<!tpu.dma_semaphore, #tpu.memory_space<semaphore_mem>>) src(%dma_wait3A_52 : memref<8192xi32, #tpu.memory_space<hbm>>) dst(%arg6 : memref<8192xi32, #tpu.memory_space<vmem>>)
        tpu.yield
      }) : () -> ()
      "tpu.region"() ({
        %run_scoped3A = tpu.sem_alloc : memref<!tpu.dma_semaphore, #tpu.memory_space<semaphore_mem>>
        %dma_start3A = tpu.memref_slice %arg3[%add3A_45] : memref<8388608xf32, #tpu.memory_space<hbm>> -> memref<8192xf32, #tpu.memory_space<hbm>>
        %dma_start3A_51 = tpu.memref_slice %arg3[%add3A_45] : memref<8388608xf32, #tpu.memory_space<hbm>> -> memref<8192xf32, #tpu.memory_space<hbm>>
        tpu.enqueue_dma source(%dma_start3A_51 : memref<8192xf32, #tpu.memory_space<hbm>>) target(%arg7 : memref<8192xf32, #tpu.memory_space<vmem>>) target_semaphore(%run_scoped3A : memref<!tpu.dma_semaphore, #tpu.memory_space<semaphore_mem>>)
        %dma_wait3A = tpu.memref_slice %arg3[%add3A_45] : memref<8388608xf32, #tpu.memory_space<hbm>> -> memref<8192xf32, #tpu.memory_space<hbm>>
        %dma_wait3A_52 = tpu.memref_slice %arg3[%add3A_45] : memref<8388608xf32, #tpu.memory_space<hbm>> -> memref<8192xf32, #tpu.memory_space<hbm>>
        tpu.wait_dma2 semaphore(%run_scoped3A : memref<!tpu.dma_semaphore, #tpu.memory_space<semaphore_mem>>) src(%dma_wait3A_52 : memref<8192xf32, #tpu.memory_space<hbm>>) dst(%arg7 : memref<8192xf32, #tpu.memory_space<vmem>>)
        tpu.yield
      }) : () -> ()
      "tpu.region"() ({
        %run_scoped3A = tpu.sem_alloc : memref<!tpu.dma_semaphore, #tpu.memory_space<semaphore_mem>>
        %dma_start3A = tpu.memref_slice %arg2[%add3A_45] : memref<8388608xf32, #tpu.memory_space<hbm>> -> memref<8192xf32, #tpu.memory_space<hbm>>
        %dma_start3A_51 = tpu.memref_slice %arg2[%add3A_45] : memref<8388608xf32, #tpu.memory_space<hbm>> -> memref<8192xf32, #tpu.memory_space<hbm>>
        tpu.enqueue_dma source(%dma_start3A_51 : memref<8192xf32, #tpu.memory_space<hbm>>) target(%arg8 : memref<8192xf32, #tpu.memory_space<vmem>>) target_semaphore(%run_scoped3A : memref<!tpu.dma_semaphore, #tpu.memory_space<semaphore_mem>>)
        %dma_wait3A = tpu.memref_slice %arg2[%add3A_45] : memref<8388608xf32, #tpu.memory_space<hbm>> -> memref<8192xf32, #tpu.memory_space<hbm>>
        %dma_wait3A_52 = tpu.memref_slice %arg2[%add3A_45] : memref<8388608xf32, #tpu.memory_space<hbm>> -> memref<8192xf32, #tpu.memory_space<hbm>>
        tpu.wait_dma2 semaphore(%run_scoped3A : memref<!tpu.dma_semaphore, #tpu.memory_space<semaphore_mem>>) src(%dma_wait3A_52 : memref<8192xf32, #tpu.memory_space<hbm>>) dst(%arg8 : memref<8192xf32, #tpu.memory_space<vmem>>)
        tpu.yield
      }) : () -> ()
      %scan3A_46 = arith.constant 0 : i32
      %scan3A_47 = arith.constant 512 : i32
      %scan3A_48 = arith.addi %scan3A_46, %scan3A_47 : i32
      %scan3A_49 = arith.constant 1 : i32
      scf.for %scan3A_51 = %scan3A_46 to %scan3A_48 step %scan3A_49  : i32 {
        %mul3A_52 = arith.constant 16 : i32
        %mul3A_53 = arith.muli %scan3A_51, %mul3A_52 : i32
        %get3A = arith.index_cast %mul3A_53 : i32 to index
        %get3A_54 = tpu.vector_load %arg6[%get3A] {strides = array<i32>} : memref<8192xi32, #tpu.memory_space<vmem>>, vector<16xi32>,
        %add3A_55 = arith.addi %mul3A_5, %get3A_54 : vector<16xi32>
        %get3A_56 = arith.index_cast %mul3A_53 : i32 to index
        %get3A_57 = tpu.vector_load %arg7[%get3A_56] {strides = array<i32>} : memref<8192xf32, #tpu.memory_space<vmem>>, vector<16xf32>,
        %get3A_58 = arith.index_cast %mul3A_53 : i32 to index
        %get3A_59 = tpu.vector_load %arg8[%get3A_58] {strides = array<i32>} : memref<8192xf32, #tpu.memory_space<vmem>>, vector<16xf32>,
        %sub3A = arith.subf %get3A_57, %get3A_59 : vector<16xf32>
        tpu.vector_store_idx %arg9[%add3A_55], %broadcast_in_dim3A_6 {add = true} : memref<32768xf32, #tpu.memory_space<vmem>>[vector<16xi32>], vector<16xf32>,
        %add3A_60 = arith.constant 8192 : i32
        %add3A_61 = vector.broadcast %add3A_60 : i32 to vector<16xi32>
        %add3A_62 = arith.addi %add3A_55, %add3A_61 : vector<16xi32>
        tpu.vector_store_idx %arg9[%add3A_62], %get3A_57 {add = true} : memref<32768xf32, #tpu.memory_space<vmem>>[vector<16xi32>], vector<16xf32>,
        %add3A_63 = arith.constant 16384 : i32
        %add3A_64 = vector.broadcast %add3A_63 : i32 to vector<16xi32>
        %add3A_65 = arith.addi %add3A_55, %add3A_64 : vector<16xi32>
        %mul3A_66 = arith.mulf %get3A_57, %get3A_57 : vector<16xf32>
        tpu.vector_store_idx %arg9[%add3A_65], %mul3A_66 {add = true} : memref<32768xf32, #tpu.memory_space<vmem>>[vector<16xi32>], vector<16xf32>,
        %add3A_67 = arith.constant 24576 : i32
        %add3A_68 = vector.broadcast %add3A_67 : i32 to vector<16xi32>
        %add3A_69 = arith.addi %add3A_55, %add3A_68 : vector<16xi32>
        %mul3A_70 = arith.mulf %sub3A, %sub3A : vector<16xf32>
        tpu.vector_store_idx %arg9[%add3A_69], %mul3A_70 {add = true} : memref<32768xf32, #tpu.memory_space<vmem>>[vector<16xi32>], vector<16xf32>,
      }
      %scan3A_50 = arith.constant 512 : i32
    }
    %scan3A_17 = arith.constant 32 : i32
    %scan3A_18 = arith.constant 0 : i32
    %scan3A_19 = arith.constant 32 : i32
    %scan3A_20 = arith.addi %scan3A_18, %scan3A_19 : i32
    %scan3A_21 = arith.constant 1 : i32
    scf.for %scan3A_42 = %scan3A_18 to %scan3A_20 step %scan3A_21  : i32 {
      %mul3A_43 = arith.constant 16 : i32
      %mul3A_44 = arith.muli %scan3A_42, %mul3A_43 : i32
      %add3A_45 = arith.constant 0 : i32
      %add3A_46 = arith.addi %add3A_45, %mul3A_44 : i32
      %get3A = arith.index_cast %add3A_46 : i32 to index
      %get3A_47 = tpu.vector_load %arg9[%get3A] {strides = array<i32>} : memref<32768xf32, #tpu.memory_space<vmem>>, vector<16xf32>,
      %mul3A_48 = arith.constant 16 : i32
      %mul3A_49 = arith.muli %scan3A_42, %mul3A_48 : i32
      %add3A_50 = arith.constant 512 : i32
      %add3A_51 = arith.addi %add3A_50, %mul3A_49 : i32
      %get3A_52 = arith.index_cast %add3A_51 : i32 to index
      %get3A_53 = tpu.vector_load %arg9[%get3A_52] {strides = array<i32>} : memref<32768xf32, #tpu.memory_space<vmem>>, vector<16xf32>,
      %add3A_54 = arith.addf %get3A_47, %get3A_53 : vector<16xf32>
      %mul3A_55 = arith.constant 16 : i32
      %mul3A_56 = arith.muli %scan3A_42, %mul3A_55 : i32
      %add3A_57 = arith.constant 1024 : i32
      %add3A_58 = arith.addi %add3A_57, %mul3A_56 : i32
      %get3A_59 = arith.index_cast %add3A_58 : i32 to index
      %get3A_60 = tpu.vector_load %arg9[%get3A_59] {strides = array<i32>} : memref<32768xf32, #tpu.memory_space<vmem>>, vector<16xf32>,
      %add3A_61 = arith.addf %add3A_54, %get3A_60 : vector<16xf32>
      %mul3A_62 = arith.constant 16 : i32
      %mul3A_63 = arith.muli %scan3A_42, %mul3A_62 : i32
      %add3A_64 = arith.constant 1536 : i32
      %add3A_65 = arith.addi %add3A_64, %mul3A_63 : i32
      %get3A_66 = arith.index_cast %add3A_65 : i32 to index
      %get3A_67 = tpu.vector_load %arg9[%get3A_66] {strides = array<i32>} : memref<32768xf32, #tpu.memory_space<vmem>>, vector<16xf32>,
      %add3A_68 = arith.addf %add3A_61, %get3A_67 : vector<16xf32>
      %mul3A_69 = arith.constant 16 : i32
      %mul3A_70 = arith.muli %scan3A_42, %mul3A_69 : i32
      %add3A_71 = arith.constant 2048 : i32
      %add3A_72 = arith.addi %add3A_71, %mul3A_70 : i32
      %get3A_73 = arith.index_cast %add3A_72 : i32 to index
      %get3A_74 = tpu.vector_load %arg9[%get3A_73] {strides = array<i32>} : memref<32768xf32, #tpu.memory_space<vmem>>, vector<16xf32>,
      %add3A_75 = arith.addf %add3A_68, %get3A_74 : vector<16xf32>
      %mul3A_76 = arith.constant 16 : i32
      %mul3A_77 = arith.muli %scan3A_42, %mul3A_76 : i32
      %add3A_78 = arith.constant 2560 : i32
      %add3A_79 = arith.addi %add3A_78, %mul3A_77 : i32
      %get3A_80 = arith.index_cast %add3A_79 : i32 to index
      %get3A_81 = tpu.vector_load %arg9[%get3A_80] {strides = array<i32>} : memref<32768xf32, #tpu.memory_space<vmem>>, vector<16xf32>,
      %add3A_82 = arith.addf %add3A_75, %get3A_81 : vector<16xf32>
      %mul3A_83 = arith.constant 16 : i32
      %mul3A_84 = arith.muli %scan3A_42, %mul3A_83 : i32
      %add3A_85 = arith.constant 3072 : i32
      %add3A_86 = arith.addi %add3A_85, %mul3A_84 : i32
      %get3A_87 = arith.index_cast %add3A_86 : i32 to index
      %get3A_88 = tpu.vector_load %arg9[%get3A_87] {strides = array<i32>} : memref<32768xf32, #tpu.memory_space<vmem>>, vector<16xf32>,
      %add3A_89 = arith.addf %add3A_82, %get3A_88 : vector<16xf32>
      %mul3A_90 = arith.constant 16 : i32
      %mul3A_91 = arith.muli %scan3A_42, %mul3A_90 : i32
      %add3A_92 = arith.constant 3584 : i32
      %add3A_93 = arith.addi %add3A_92, %mul3A_91 : i32
      %get3A_94 = arith.index_cast %add3A_93 : i32 to index
      %get3A_95 = tpu.vector_load %arg9[%get3A_94] {strides = array<i32>} : memref<32768xf32, #tpu.memory_space<vmem>>, vector<16xf32>,
      %add3A_96 = arith.addf %add3A_89, %get3A_95 : vector<16xf32>
      %mul3A_97 = arith.constant 16 : i32
      %mul3A_98 = arith.muli %scan3A_42, %mul3A_97 : i32
      %add3A_99 = arith.constant 4096 : i32
      %add3A_100 = arith.addi %add3A_99, %mul3A_98 : i32
      %get3A_101 = arith.index_cast %add3A_100 : i32 to index
      %get3A_102 = tpu.vector_load %arg9[%get3A_101] {strides = array<i32>} : memref<32768xf32, #tpu.memory_space<vmem>>, vector<16xf32>,
      %add3A_103 = arith.addf %add3A_96, %get3A_102 : vector<16xf32>
      %mul3A_104 = arith.constant 16 : i32
      %mul3A_105 = arith.muli %scan3A_42, %mul3A_104 : i32
      %add3A_106 = arith.constant 4608 : i32
      %add3A_107 = arith.addi %add3A_106, %mul3A_105 : i32
      %get3A_108 = arith.index_cast %add3A_107 : i32 to index
      %get3A_109 = tpu.vector_load %arg9[%get3A_108] {strides = array<i32>} : memref<32768xf32, #tpu.memory_space<vmem>>, vector<16xf32>,
      %add3A_110 = arith.addf %add3A_103, %get3A_109 : vector<16xf32>
      %mul3A_111 = arith.constant 16 : i32
      %mul3A_112 = arith.muli %scan3A_42, %mul3A_111 : i32
      %add3A_113 = arith.constant 5120 : i32
      %add3A_114 = arith.addi %add3A_113, %mul3A_112 : i32
      %get3A_115 = arith.index_cast %add3A_114 : i32 to index
      %get3A_116 = tpu.vector_load %arg9[%get3A_115] {strides = array<i32>} : memref<32768xf32, #tpu.memory_space<vmem>>, vector<16xf32>,
      %add3A_117 = arith.addf %add3A_110, %get3A_116 : vector<16xf32>
      %mul3A_118 = arith.constant 16 : i32
      %mul3A_119 = arith.muli %scan3A_42, %mul3A_118 : i32
      %add3A_120 = arith.constant 5632 : i32
      %add3A_121 = arith.addi %add3A_120, %mul3A_119 : i32
      %get3A_122 = arith.index_cast %add3A_121 : i32 to index
      %get3A_123 = tpu.vector_load %arg9[%get3A_122] {strides = array<i32>} : memref<32768xf32, #tpu.memory_space<vmem>>, vector<16xf32>,
      %add3A_124 = arith.addf %add3A_117, %get3A_123 : vector<16xf32>
      %mul3A_125 = arith.constant 16 : i32
      %mul3A_126 = arith.muli %scan3A_42, %mul3A_125 : i32
      %add3A_127 = arith.constant 6144 : i32
      %add3A_128 = arith.addi %add3A_127, %mul3A_126 : i32
      %get3A_129 = arith.index_cast %add3A_128 : i32 to index
      %get3A_130 = tpu.vector_load %arg9[%get3A_129] {strides = array<i32>} : memref<32768xf32, #tpu.memory_space<vmem>>, vector<16xf32>,
      %add3A_131 = arith.addf %add3A_124, %get3A_130 : vector<16xf32>
      %mul3A_132 = arith.constant 16 : i32
      %mul3A_133 = arith.muli %scan3A_42, %mul3A_132 : i32
      %add3A_134 = arith.constant 6656 : i32
      %add3A_135 = arith.addi %add3A_134, %mul3A_133 : i32
      %get3A_136 = arith.index_cast %add3A_135 : i32 to index
      %get3A_137 = tpu.vector_load %arg9[%get3A_136] {strides = array<i32>} : memref<32768xf32, #tpu.memory_space<vmem>>, vector<16xf32>,
      %add3A_138 = arith.addf %add3A_131, %get3A_137 : vector<16xf32>
      %mul3A_139 = arith.constant 16 : i32
      %mul3A_140 = arith.muli %scan3A_42, %mul3A_139 : i32
      %add3A_141 = arith.constant 7168 : i32
      %add3A_142 = arith.addi %add3A_141, %mul3A_140 : i32
      %get3A_143 = arith.index_cast %add3A_142 : i32 to index
      %get3A_144 = tpu.vector_load %arg9[%get3A_143] {strides = array<i32>} : memref<32768xf32, #tpu.memory_space<vmem>>, vector<16xf32>,
      %add3A_145 = arith.addf %add3A_138, %get3A_144 : vector<16xf32>
      %mul3A_146 = arith.constant 16 : i32
      %mul3A_147 = arith.muli %scan3A_42, %mul3A_146 : i32
      %add3A_148 = arith.constant 7680 : i32
      %add3A_149 = arith.addi %add3A_148, %mul3A_147 : i32
      %get3A_150 = arith.index_cast %add3A_149 : i32 to index
      %get3A_151 = tpu.vector_load %arg9[%get3A_150] {strides = array<i32>} : memref<32768xf32, #tpu.memory_space<vmem>>, vector<16xf32>,
      %add3A_152 = arith.addf %add3A_145, %get3A_151 : vector<16xf32>
      %mul3A_153 = arith.constant 16 : i32
      %mul3A_154 = arith.muli %scan3A_42, %mul3A_153 : i32
      %add3A_155 = arith.constant 0 : i32
      %add3A_156 = arith.addi %add3A_155, %mul3A_154 : i32
      %swap3A = arith.index_cast %add3A_156 : i32 to index
      %swap3A_157 = tpu.vector_load %arg10[%swap3A] {strides = array<i32>} : memref<2048xf32, #tpu.memory_space<vmem>>, vector<16xf32>,
      tpu.vector_store %arg10[%swap3A], %add3A_152 {strides = array<i32>} : memref<2048xf32, #tpu.memory_space<vmem>>, vector<16xf32>,
    }
    %scan3A_22 = arith.constant 32 : i32
    %scan3A_23 = arith.constant 0 : i32
    %scan3A_24 = arith.constant 32 : i32
    %scan3A_25 = arith.addi %scan3A_23, %scan3A_24 : i32
    %scan3A_26 = arith.constant 1 : i32
    scf.for %scan3A_42 = %scan3A_23 to %scan3A_25 step %scan3A_26  : i32 {
      %mul3A_43 = arith.constant 16 : i32
      %mul3A_44 = arith.muli %scan3A_42, %mul3A_43 : i32
      %add3A_45 = arith.constant 8192 : i32
      %add3A_46 = arith.addi %add3A_45, %mul3A_44 : i32
      %get3A = arith.index_cast %add3A_46 : i32 to index
      %get3A_47 = tpu.vector_load %arg9[%get3A] {strides = array<i32>} : memref<32768xf32, #tpu.memory_space<vmem>>, vector<16xf32>,
      %mul3A_48 = arith.constant 16 : i32
      %mul3A_49 = arith.muli %scan3A_42, %mul3A_48 : i32
      %add3A_50 = arith.constant 8704 : i32
      %add3A_51 = arith.addi %add3A_50, %mul3A_49 : i32
      %get3A_52 = arith.index_cast %add3A_51 : i32 to index
      %get3A_53 = tpu.vector_load %arg9[%get3A_52] {strides = array<i32>} : memref<32768xf32, #tpu.memory_space<vmem>>, vector<16xf32>,
      %add3A_54 = arith.addf %get3A_47, %get3A_53 : vector<16xf32>
      %mul3A_55 = arith.constant 16 : i32
      %mul3A_56 = arith.muli %scan3A_42, %mul3A_55 : i32
      %add3A_57 = arith.constant 9216 : i32
      %add3A_58 = arith.addi %add3A_57, %mul3A_56 : i32
      %get3A_59 = arith.index_cast %add3A_58 : i32 to index
      %get3A_60 = tpu.vector_load %arg9[%get3A_59] {strides = array<i32>} : memref<32768xf32, #tpu.memory_space<vmem>>, vector<16xf32>,
      %add3A_61 = arith.addf %add3A_54, %get3A_60 : vector<16xf32>
      %mul3A_62 = arith.constant 16 : i32
      %mul3A_63 = arith.muli %scan3A_42, %mul3A_62 : i32
      %add3A_64 = arith.constant 9728 : i32
      %add3A_65 = arith.addi %add3A_64, %mul3A_63 : i32
      %get3A_66 = arith.index_cast %add3A_65 : i32 to index
      %get3A_67 = tpu.vector_load %arg9[%get3A_66] {strides = array<i32>} : memref<32768xf32, #tpu.memory_space<vmem>>, vector<16xf32>,
      %add3A_68 = arith.addf %add3A_61, %get3A_67 : vector<16xf32>
      %mul3A_69 = arith.constant 16 : i32
      %mul3A_70 = arith.muli %scan3A_42, %mul3A_69 : i32
      %add3A_71 = arith.constant 10240 : i32
      %add3A_72 = arith.addi %add3A_71, %mul3A_70 : i32
      %get3A_73 = arith.index_cast %add3A_72 : i32 to index
      %get3A_74 = tpu.vector_load %arg9[%get3A_73] {strides = array<i32>} : memref<32768xf32, #tpu.memory_space<vmem>>, vector<16xf32>,
      %add3A_75 = arith.addf %add3A_68, %get3A_74 : vector<16xf32>
      %mul3A_76 = arith.constant 16 : i32
      %mul3A_77 = arith.muli %scan3A_42, %mul3A_76 : i32
      %add3A_78 = arith.constant 10752 : i32
      %add3A_79 = arith.addi %add3A_78, %mul3A_77 : i32
      %get3A_80 = arith.index_cast %add3A_79 : i32 to index
      %get3A_81 = tpu.vector_load %arg9[%get3A_80] {strides = array<i32>} : memref<32768xf32, #tpu.memory_space<vmem>>, vector<16xf32>,
      %add3A_82 = arith.addf %add3A_75, %get3A_81 : vector<16xf32>
      %mul3A_83 = arith.constant 16 : i32
      %mul3A_84 = arith.muli %scan3A_42, %mul3A_83 : i32
      %add3A_85 = arith.constant 11264 : i32
      %add3A_86 = arith.addi %add3A_85, %mul3A_84 : i32
      %get3A_87 = arith.index_cast %add3A_86 : i32 to index
      %get3A_88 = tpu.vector_load %arg9[%get3A_87] {strides = array<i32>} : memref<32768xf32, #tpu.memory_space<vmem>>, vector<16xf32>,
      %add3A_89 = arith.addf %add3A_82, %get3A_88 : vector<16xf32>
      %mul3A_90 = arith.constant 16 : i32
      %mul3A_91 = arith.muli %scan3A_42, %mul3A_90 : i32
      %add3A_92 = arith.constant 11776 : i32
      %add3A_93 = arith.addi %add3A_92, %mul3A_91 : i32
      %get3A_94 = arith.index_cast %add3A_93 : i32 to index
      %get3A_95 = tpu.vector_load %arg9[%get3A_94] {strides = array<i32>} : memref<32768xf32, #tpu.memory_space<vmem>>, vector<16xf32>,
      %add3A_96 = arith.addf %add3A_89, %get3A_95 : vector<16xf32>
      %mul3A_97 = arith.constant 16 : i32
      %mul3A_98 = arith.muli %scan3A_42, %mul3A_97 : i32
      %add3A_99 = arith.constant 12288 : i32
      %add3A_100 = arith.addi %add3A_99, %mul3A_98 : i32
      %get3A_101 = arith.index_cast %add3A_100 : i32 to index
      %get3A_102 = tpu.vector_load %arg9[%get3A_101] {strides = array<i32>} : memref<32768xf32, #tpu.memory_space<vmem>>, vector<16xf32>,
      %add3A_103 = arith.addf %add3A_96, %get3A_102 : vector<16xf32>
      %mul3A_104 = arith.constant 16 : i32
      %mul3A_105 = arith.muli %scan3A_42, %mul3A_104 : i32
      %add3A_106 = arith.constant 12800 : i32
      %add3A_107 = arith.addi %add3A_106, %mul3A_105 : i32
      %get3A_108 = arith.index_cast %add3A_107 : i32 to index
      %get3A_109 = tpu.vector_load %arg9[%get3A_108] {strides = array<i32>} : memref<32768xf32, #tpu.memory_space<vmem>>, vector<16xf32>,
      %add3A_110 = arith.addf %add3A_103, %get3A_109 : vector<16xf32>
      %mul3A_111 = arith.constant 16 : i32
      %mul3A_112 = arith.muli %scan3A_42, %mul3A_111 : i32
      %add3A_113 = arith.constant 13312 : i32
      %add3A_114 = arith.addi %add3A_113, %mul3A_112 : i32
      %get3A_115 = arith.index_cast %add3A_114 : i32 to index
      %get3A_116 = tpu.vector_load %arg9[%get3A_115] {strides = array<i32>} : memref<32768xf32, #tpu.memory_space<vmem>>, vector<16xf32>,
      %add3A_117 = arith.addf %add3A_110, %get3A_116 : vector<16xf32>
      %mul3A_118 = arith.constant 16 : i32
      %mul3A_119 = arith.muli %scan3A_42, %mul3A_118 : i32
      %add3A_120 = arith.constant 13824 : i32
      %add3A_121 = arith.addi %add3A_120, %mul3A_119 : i32
      %get3A_122 = arith.index_cast %add3A_121 : i32 to index
      %get3A_123 = tpu.vector_load %arg9[%get3A_122] {strides = array<i32>} : memref<32768xf32, #tpu.memory_space<vmem>>, vector<16xf32>,
      %add3A_124 = arith.addf %add3A_117, %get3A_123 : vector<16xf32>
      %mul3A_125 = arith.constant 16 : i32
      %mul3A_126 = arith.muli %scan3A_42, %mul3A_125 : i32
      %add3A_127 = arith.constant 14336 : i32
      %add3A_128 = arith.addi %add3A_127, %mul3A_126 : i32
      %get3A_129 = arith.index_cast %add3A_128 : i32 to index
      %get3A_130 = tpu.vector_load %arg9[%get3A_129] {strides = array<i32>} : memref<32768xf32, #tpu.memory_space<vmem>>, vector<16xf32>,
      %add3A_131 = arith.addf %add3A_124, %get3A_130 : vector<16xf32>
      %mul3A_132 = arith.constant 16 : i32
      %mul3A_133 = arith.muli %scan3A_42, %mul3A_132 : i32
      %add3A_134 = arith.constant 14848 : i32
      %add3A_135 = arith.addi %add3A_134, %mul3A_133 : i32
      %get3A_136 = arith.index_cast %add3A_135 : i32 to index
      %get3A_137 = tpu.vector_load %arg9[%get3A_136] {strides = array<i32>} : memref<32768xf32, #tpu.memory_space<vmem>>, vector<16xf32>,
      %add3A_138 = arith.addf %add3A_131, %get3A_137 : vector<16xf32>
      %mul3A_139 = arith.constant 16 : i32
      %mul3A_140 = arith.muli %scan3A_42, %mul3A_139 : i32
      %add3A_141 = arith.constant 15360 : i32
      %add3A_142 = arith.addi %add3A_141, %mul3A_140 : i32
      %get3A_143 = arith.index_cast %add3A_142 : i32 to index
      %get3A_144 = tpu.vector_load %arg9[%get3A_143] {strides = array<i32>} : memref<32768xf32, #tpu.memory_space<vmem>>, vector<16xf32>,
      %add3A_145 = arith.addf %add3A_138, %get3A_144 : vector<16xf32>
      %mul3A_146 = arith.constant 16 : i32
      %mul3A_147 = arith.muli %scan3A_42, %mul3A_146 : i32
      %add3A_148 = arith.constant 15872 : i32
      %add3A_149 = arith.addi %add3A_148, %mul3A_147 : i32
      %get3A_150 = arith.index_cast %add3A_149 : i32 to index
      %get3A_151 = tpu.vector_load %arg9[%get3A_150] {strides = array<i32>} : memref<32768xf32, #tpu.memory_space<vmem>>, vector<16xf32>,
      %add3A_152 = arith.addf %add3A_145, %get3A_151 : vector<16xf32>
      %mul3A_153 = arith.constant 16 : i32
      %mul3A_154 = arith.muli %scan3A_42, %mul3A_153 : i32
      %add3A_155 = arith.constant 512 : i32
      %add3A_156 = arith.addi %add3A_155, %mul3A_154 : i32
      %swap3A = arith.index_cast %add3A_156 : i32 to index
      %swap3A_157 = tpu.vector_load %arg10[%swap3A] {strides = array<i32>} : memref<2048xf32, #tpu.memory_space<vmem>>, vector<16xf32>,
      tpu.vector_store %arg10[%swap3A], %add3A_152 {strides = array<i32>} : memref<2048xf32, #tpu.memory_space<vmem>>, vector<16xf32>,
    }
    %scan3A_27 = arith.constant 32 : i32
    %scan3A_28 = arith.constant 0 : i32
    %scan3A_29 = arith.constant 32 : i32
    %scan3A_30 = arith.addi %scan3A_28, %scan3A_29 : i32
    %scan3A_31 = arith.constant 1 : i32
    scf.for %scan3A_42 = %scan3A_28 to %scan3A_30 step %scan3A_31  : i32 {
      %mul3A_43 = arith.constant 16 : i32
      %mul3A_44 = arith.muli %scan3A_42, %mul3A_43 : i32
      %add3A_45 = arith.constant 16384 : i32
      %add3A_46 = arith.addi %add3A_45, %mul3A_44 : i32
      %get3A = arith.index_cast %add3A_46 : i32 to index
      %get3A_47 = tpu.vector_load %arg9[%get3A] {strides = array<i32>} : memref<32768xf32, #tpu.memory_space<vmem>>, vector<16xf32>,
      %mul3A_48 = arith.constant 16 : i32
      %mul3A_49 = arith.muli %scan3A_42, %mul3A_48 : i32
      %add3A_50 = arith.constant 16896 : i32
      %add3A_51 = arith.addi %add3A_50, %mul3A_49 : i32
      %get3A_52 = arith.index_cast %add3A_51 : i32 to index
      %get3A_53 = tpu.vector_load %arg9[%get3A_52] {strides = array<i32>} : memref<32768xf32, #tpu.memory_space<vmem>>, vector<16xf32>,
      %add3A_54 = arith.addf %get3A_47, %get3A_53 : vector<16xf32>
      %mul3A_55 = arith.constant 16 : i32
      %mul3A_56 = arith.muli %scan3A_42, %mul3A_55 : i32
      %add3A_57 = arith.constant 17408 : i32
      %add3A_58 = arith.addi %add3A_57, %mul3A_56 : i32
      %get3A_59 = arith.index_cast %add3A_58 : i32 to index
      %get3A_60 = tpu.vector_load %arg9[%get3A_59] {strides = array<i32>} : memref<32768xf32, #tpu.memory_space<vmem>>, vector<16xf32>,
      %add3A_61 = arith.addf %add3A_54, %get3A_60 : vector<16xf32>
      %mul3A_62 = arith.constant 16 : i32
      %mul3A_63 = arith.muli %scan3A_42, %mul3A_62 : i32
      %add3A_64 = arith.constant 17920 : i32
      %add3A_65 = arith.addi %add3A_64, %mul3A_63 : i32
      %get3A_66 = arith.index_cast %add3A_65 : i32 to index
      %get3A_67 = tpu.vector_load %arg9[%get3A_66] {strides = array<i32>} : memref<32768xf32, #tpu.memory_space<vmem>>, vector<16xf32>,
      %add3A_68 = arith.addf %add3A_61, %get3A_67 : vector<16xf32>
      %mul3A_69 = arith.constant 16 : i32
      %mul3A_70 = arith.muli %scan3A_42, %mul3A_69 : i32
      %add3A_71 = arith.constant 18432 : i32
      %add3A_72 = arith.addi %add3A_71, %mul3A_70 : i32
      %get3A_73 = arith.index_cast %add3A_72 : i32 to index
      %get3A_74 = tpu.vector_load %arg9[%get3A_73] {strides = array<i32>} : memref<32768xf32, #tpu.memory_space<vmem>>, vector<16xf32>,
      %add3A_75 = arith.addf %add3A_68, %get3A_74 : vector<16xf32>
      %mul3A_76 = arith.constant 16 : i32
      %mul3A_77 = arith.muli %scan3A_42, %mul3A_76 : i32
      %add3A_78 = arith.constant 18944 : i32
      %add3A_79 = arith.addi %add3A_78, %mul3A_77 : i32
      %get3A_80 = arith.index_cast %add3A_79 : i32 to index
      %get3A_81 = tpu.vector_load %arg9[%get3A_80] {strides = array<i32>} : memref<32768xf32, #tpu.memory_space<vmem>>, vector<16xf32>,
      %add3A_82 = arith.addf %add3A_75, %get3A_81 : vector<16xf32>
      %mul3A_83 = arith.constant 16 : i32
      %mul3A_84 = arith.muli %scan3A_42, %mul3A_83 : i32
      %add3A_85 = arith.constant 19456 : i32
      %add3A_86 = arith.addi %add3A_85, %mul3A_84 : i32
      %get3A_87 = arith.index_cast %add3A_86 : i32 to index
      %get3A_88 = tpu.vector_load %arg9[%get3A_87] {strides = array<i32>} : memref<32768xf32, #tpu.memory_space<vmem>>, vector<16xf32>,
      %add3A_89 = arith.addf %add3A_82, %get3A_88 : vector<16xf32>
      %mul3A_90 = arith.constant 16 : i32
      %mul3A_91 = arith.muli %scan3A_42, %mul3A_90 : i32
      %add3A_92 = arith.constant 19968 : i32
      %add3A_93 = arith.addi %add3A_92, %mul3A_91 : i32
      %get3A_94 = arith.index_cast %add3A_93 : i32 to index
      %get3A_95 = tpu.vector_load %arg9[%get3A_94] {strides = array<i32>} : memref<32768xf32, #tpu.memory_space<vmem>>, vector<16xf32>,
      %add3A_96 = arith.addf %add3A_89, %get3A_95 : vector<16xf32>
      %mul3A_97 = arith.constant 16 : i32
      %mul3A_98 = arith.muli %scan3A_42, %mul3A_97 : i32
      %add3A_99 = arith.constant 20480 : i32
      %add3A_100 = arith.addi %add3A_99, %mul3A_98 : i32
      %get3A_101 = arith.index_cast %add3A_100 : i32 to index
      %get3A_102 = tpu.vector_load %arg9[%get3A_101] {strides = array<i32>} : memref<32768xf32, #tpu.memory_space<vmem>>, vector<16xf32>,
      %add3A_103 = arith.addf %add3A_96, %get3A_102 : vector<16xf32>
      %mul3A_104 = arith.constant 16 : i32
      %mul3A_105 = arith.muli %scan3A_42, %mul3A_104 : i32
      %add3A_106 = arith.constant 20992 : i32
      %add3A_107 = arith.addi %add3A_106, %mul3A_105 : i32
      %get3A_108 = arith.index_cast %add3A_107 : i32 to index
      %get3A_109 = tpu.vector_load %arg9[%get3A_108] {strides = array<i32>} : memref<32768xf32, #tpu.memory_space<vmem>>, vector<16xf32>,
      %add3A_110 = arith.addf %add3A_103, %get3A_109 : vector<16xf32>
      %mul3A_111 = arith.constant 16 : i32
      %mul3A_112 = arith.muli %scan3A_42, %mul3A_111 : i32
      %add3A_113 = arith.constant 21504 : i32
      %add3A_114 = arith.addi %add3A_113, %mul3A_112 : i32
      %get3A_115 = arith.index_cast %add3A_114 : i32 to index
      %get3A_116 = tpu.vector_load %arg9[%get3A_115] {strides = array<i32>} : memref<32768xf32, #tpu.memory_space<vmem>>, vector<16xf32>,
      %add3A_117 = arith.addf %add3A_110, %get3A_116 : vector<16xf32>
      %mul3A_118 = arith.constant 16 : i32
      %mul3A_119 = arith.muli %scan3A_42, %mul3A_118 : i32
      %add3A_120 = arith.constant 22016 : i32
      %add3A_121 = arith.addi %add3A_120, %mul3A_119 : i32
      %get3A_122 = arith.index_cast %add3A_121 : i32 to index
      %get3A_123 = tpu.vector_load %arg9[%get3A_122] {strides = array<i32>} : memref<32768xf32, #tpu.memory_space<vmem>>, vector<16xf32>,
      %add3A_124 = arith.addf %add3A_117, %get3A_123 : vector<16xf32>
      %mul3A_125 = arith.constant 16 : i32
      %mul3A_126 = arith.muli %scan3A_42, %mul3A_125 : i32
      %add3A_127 = arith.constant 22528 : i32
      %add3A_128 = arith.addi %add3A_127, %mul3A_126 : i32
      %get3A_129 = arith.index_cast %add3A_128 : i32 to index
      %get3A_130 = tpu.vector_load %arg9[%get3A_129] {strides = array<i32>} : memref<32768xf32, #tpu.memory_space<vmem>>, vector<16xf32>,
      %add3A_131 = arith.addf %add3A_124, %get3A_130 : vector<16xf32>
      %mul3A_132 = arith.constant 16 : i32
      %mul3A_133 = arith.muli %scan3A_42, %mul3A_132 : i32
      %add3A_134 = arith.constant 23040 : i32
      %add3A_135 = arith.addi %add3A_134, %mul3A_133 : i32
      %get3A_136 = arith.index_cast %add3A_135 : i32 to index
      %get3A_137 = tpu.vector_load %arg9[%get3A_136] {strides = array<i32>} : memref<32768xf32, #tpu.memory_space<vmem>>, vector<16xf32>,
      %add3A_138 = arith.addf %add3A_131, %get3A_137 : vector<16xf32>
      %mul3A_139 = arith.constant 16 : i32
      %mul3A_140 = arith.muli %scan3A_42, %mul3A_139 : i32
      %add3A_141 = arith.constant 23552 : i32
      %add3A_142 = arith.addi %add3A_141, %mul3A_140 : i32
      %get3A_143 = arith.index_cast %add3A_142 : i32 to index
      %get3A_144 = tpu.vector_load %arg9[%get3A_143] {strides = array<i32>} : memref<32768xf32, #tpu.memory_space<vmem>>, vector<16xf32>,
      %add3A_145 = arith.addf %add3A_138, %get3A_144 : vector<16xf32>
      %mul3A_146 = arith.constant 16 : i32
      %mul3A_147 = arith.muli %scan3A_42, %mul3A_146 : i32
      %add3A_148 = arith.constant 24064 : i32
      %add3A_149 = arith.addi %add3A_148, %mul3A_147 : i32
      %get3A_150 = arith.index_cast %add3A_149 : i32 to index
      %get3A_151 = tpu.vector_load %arg9[%get3A_150] {strides = array<i32>} : memref<32768xf32, #tpu.memory_space<vmem>>, vector<16xf32>,
      %add3A_152 = arith.addf %add3A_145, %get3A_151 : vector<16xf32>
      %mul3A_153 = arith.constant 16 : i32
      %mul3A_154 = arith.muli %scan3A_42, %mul3A_153 : i32
      %add3A_155 = arith.constant 1024 : i32
      %add3A_156 = arith.addi %add3A_155, %mul3A_154 : i32
      %swap3A = arith.index_cast %add3A_156 : i32 to index
      %swap3A_157 = tpu.vector_load %arg10[%swap3A] {strides = array<i32>} : memref<2048xf32, #tpu.memory_space<vmem>>, vector<16xf32>,
      tpu.vector_store %arg10[%swap3A], %add3A_152 {strides = array<i32>} : memref<2048xf32, #tpu.memory_space<vmem>>, vector<16xf32>,
    }
    %scan3A_32 = arith.constant 32 : i32
    %scan3A_33 = arith.constant 0 : i32
    %scan3A_34 = arith.constant 32 : i32
    %scan3A_35 = arith.addi %scan3A_33, %scan3A_34 : i32
    %scan3A_36 = arith.constant 1 : i32
    scf.for %scan3A_42 = %scan3A_33 to %scan3A_35 step %scan3A_36  : i32 {
      %mul3A_43 = arith.constant 16 : i32
      %mul3A_44 = arith.muli %scan3A_42, %mul3A_43 : i32
      %add3A_45 = arith.constant 24576 : i32
      %add3A_46 = arith.addi %add3A_45, %mul3A_44 : i32
      %get3A = arith.index_cast %add3A_46 : i32 to index
      %get3A_47 = tpu.vector_load %arg9[%get3A] {strides = array<i32>} : memref<32768xf32, #tpu.memory_space<vmem>>, vector<16xf32>,
      %mul3A_48 = arith.constant 16 : i32
      %mul3A_49 = arith.muli %scan3A_42, %mul3A_48 : i32
      %add3A_50 = arith.constant 25088 : i32
      %add3A_51 = arith.addi %add3A_50, %mul3A_49 : i32
      %get3A_52 = arith.index_cast %add3A_51 : i32 to index
      %get3A_53 = tpu.vector_load %arg9[%get3A_52] {strides = array<i32>} : memref<32768xf32, #tpu.memory_space<vmem>>, vector<16xf32>,
      %add3A_54 = arith.addf %get3A_47, %get3A_53 : vector<16xf32>
      %mul3A_55 = arith.constant 16 : i32
      %mul3A_56 = arith.muli %scan3A_42, %mul3A_55 : i32
      %add3A_57 = arith.constant 25600 : i32
      %add3A_58 = arith.addi %add3A_57, %mul3A_56 : i32
      %get3A_59 = arith.index_cast %add3A_58 : i32 to index
      %get3A_60 = tpu.vector_load %arg9[%get3A_59] {strides = array<i32>} : memref<32768xf32, #tpu.memory_space<vmem>>, vector<16xf32>,
      %add3A_61 = arith.addf %add3A_54, %get3A_60 : vector<16xf32>
      %mul3A_62 = arith.constant 16 : i32
      %mul3A_63 = arith.muli %scan3A_42, %mul3A_62 : i32
      %add3A_64 = arith.constant 26112 : i32
      %add3A_65 = arith.addi %add3A_64, %mul3A_63 : i32
      %get3A_66 = arith.index_cast %add3A_65 : i32 to index
      %get3A_67 = tpu.vector_load %arg9[%get3A_66] {strides = array<i32>} : memref<32768xf32, #tpu.memory_space<vmem>>, vector<16xf32>,
      %add3A_68 = arith.addf %add3A_61, %get3A_67 : vector<16xf32>
      %mul3A_69 = arith.constant 16 : i32
      %mul3A_70 = arith.muli %scan3A_42, %mul3A_69 : i32
      %add3A_71 = arith.constant 26624 : i32
      %add3A_72 = arith.addi %add3A_71, %mul3A_70 : i32
      %get3A_73 = arith.index_cast %add3A_72 : i32 to index
      %get3A_74 = tpu.vector_load %arg9[%get3A_73] {strides = array<i32>} : memref<32768xf32, #tpu.memory_space<vmem>>, vector<16xf32>,
      %add3A_75 = arith.addf %add3A_68, %get3A_74 : vector<16xf32>
      %mul3A_76 = arith.constant 16 : i32
      %mul3A_77 = arith.muli %scan3A_42, %mul3A_76 : i32
      %add3A_78 = arith.constant 27136 : i32
      %add3A_79 = arith.addi %add3A_78, %mul3A_77 : i32
      %get3A_80 = arith.index_cast %add3A_79 : i32 to index
      %get3A_81 = tpu.vector_load %arg9[%get3A_80] {strides = array<i32>} : memref<32768xf32, #tpu.memory_space<vmem>>, vector<16xf32>,
      %add3A_82 = arith.addf %add3A_75, %get3A_81 : vector<16xf32>
      %mul3A_83 = arith.constant 16 : i32
      %mul3A_84 = arith.muli %scan3A_42, %mul3A_83 : i32
      %add3A_85 = arith.constant 27648 : i32
      %add3A_86 = arith.addi %add3A_85, %mul3A_84 : i32
      %get3A_87 = arith.index_cast %add3A_86 : i32 to index
      %get3A_88 = tpu.vector_load %arg9[%get3A_87] {strides = array<i32>} : memref<32768xf32, #tpu.memory_space<vmem>>, vector<16xf32>,
      %add3A_89 = arith.addf %add3A_82, %get3A_88 : vector<16xf32>
      %mul3A_90 = arith.constant 16 : i32
      %mul3A_91 = arith.muli %scan3A_42, %mul3A_90 : i32
      %add3A_92 = arith.constant 28160 : i32
      %add3A_93 = arith.addi %add3A_92, %mul3A_91 : i32
      %get3A_94 = arith.index_cast %add3A_93 : i32 to index
      %get3A_95 = tpu.vector_load %arg9[%get3A_94] {strides = array<i32>} : memref<32768xf32, #tpu.memory_space<vmem>>, vector<16xf32>,
      %add3A_96 = arith.addf %add3A_89, %get3A_95 : vector<16xf32>
      %mul3A_97 = arith.constant 16 : i32
      %mul3A_98 = arith.muli %scan3A_42, %mul3A_97 : i32
      %add3A_99 = arith.constant 28672 : i32
      %add3A_100 = arith.addi %add3A_99, %mul3A_98 : i32
      %get3A_101 = arith.index_cast %add3A_100 : i32 to index
      %get3A_102 = tpu.vector_load %arg9[%get3A_101] {strides = array<i32>} : memref<32768xf32, #tpu.memory_space<vmem>>, vector<16xf32>,
      %add3A_103 = arith.addf %add3A_96, %get3A_102 : vector<16xf32>
      %mul3A_104 = arith.constant 16 : i32
      %mul3A_105 = arith.muli %scan3A_42, %mul3A_104 : i32
      %add3A_106 = arith.constant 29184 : i32
      %add3A_107 = arith.addi %add3A_106, %mul3A_105 : i32
      %get3A_108 = arith.index_cast %add3A_107 : i32 to index
      %get3A_109 = tpu.vector_load %arg9[%get3A_108] {strides = array<i32>} : memref<32768xf32, #tpu.memory_space<vmem>>, vector<16xf32>,
      %add3A_110 = arith.addf %add3A_103, %get3A_109 : vector<16xf32>
      %mul3A_111 = arith.constant 16 : i32
      %mul3A_112 = arith.muli %scan3A_42, %mul3A_111 : i32
      %add3A_113 = arith.constant 29696 : i32
      %add3A_114 = arith.addi %add3A_113, %mul3A_112 : i32
      %get3A_115 = arith.index_cast %add3A_114 : i32 to index
      %get3A_116 = tpu.vector_load %arg9[%get3A_115] {strides = array<i32>} : memref<32768xf32, #tpu.memory_space<vmem>>, vector<16xf32>,
      %add3A_117 = arith.addf %add3A_110, %get3A_116 : vector<16xf32>
      %mul3A_118 = arith.constant 16 : i32
      %mul3A_119 = arith.muli %scan3A_42, %mul3A_118 : i32
      %add3A_120 = arith.constant 30208 : i32
      %add3A_121 = arith.addi %add3A_120, %mul3A_119 : i32
      %get3A_122 = arith.index_cast %add3A_121 : i32 to index
      %get3A_123 = tpu.vector_load %arg9[%get3A_122] {strides = array<i32>} : memref<32768xf32, #tpu.memory_space<vmem>>, vector<16xf32>,
      %add3A_124 = arith.addf %add3A_117, %get3A_123 : vector<16xf32>
      %mul3A_125 = arith.constant 16 : i32
      %mul3A_126 = arith.muli %scan3A_42, %mul3A_125 : i32
      %add3A_127 = arith.constant 30720 : i32
      %add3A_128 = arith.addi %add3A_127, %mul3A_126 : i32
      %get3A_129 = arith.index_cast %add3A_128 : i32 to index
      %get3A_130 = tpu.vector_load %arg9[%get3A_129] {strides = array<i32>} : memref<32768xf32, #tpu.memory_space<vmem>>, vector<16xf32>,
      %add3A_131 = arith.addf %add3A_124, %get3A_130 : vector<16xf32>
      %mul3A_132 = arith.constant 16 : i32
      %mul3A_133 = arith.muli %scan3A_42, %mul3A_132 : i32
      %add3A_134 = arith.constant 31232 : i32
      %add3A_135 = arith.addi %add3A_134, %mul3A_133 : i32
      %get3A_136 = arith.index_cast %add3A_135 : i32 to index
      %get3A_137 = tpu.vector_load %arg9[%get3A_136] {strides = array<i32>} : memref<32768xf32, #tpu.memory_space<vmem>>, vector<16xf32>,
      %add3A_138 = arith.addf %add3A_131, %get3A_137 : vector<16xf32>
      %mul3A_139 = arith.constant 16 : i32
      %mul3A_140 = arith.muli %scan3A_42, %mul3A_139 : i32
      %add3A_141 = arith.constant 31744 : i32
      %add3A_142 = arith.addi %add3A_141, %mul3A_140 : i32
      %get3A_143 = arith.index_cast %add3A_142 : i32 to index
      %get3A_144 = tpu.vector_load %arg9[%get3A_143] {strides = array<i32>} : memref<32768xf32, #tpu.memory_space<vmem>>, vector<16xf32>,
      %add3A_145 = arith.addf %add3A_138, %get3A_144 : vector<16xf32>
      %mul3A_146 = arith.constant 16 : i32
      %mul3A_147 = arith.muli %scan3A_42, %mul3A_146 : i32
      %add3A_148 = arith.constant 32256 : i32
      %add3A_149 = arith.addi %add3A_148, %mul3A_147 : i32
      %get3A_150 = arith.index_cast %add3A_149 : i32 to index
      %get3A_151 = tpu.vector_load %arg9[%get3A_150] {strides = array<i32>} : memref<32768xf32, #tpu.memory_space<vmem>>, vector<16xf32>,
      %add3A_152 = arith.addf %add3A_145, %get3A_151 : vector<16xf32>
      %mul3A_153 = arith.constant 16 : i32
      %mul3A_154 = arith.muli %scan3A_42, %mul3A_153 : i32
      %add3A_155 = arith.constant 1536 : i32
      %add3A_156 = arith.addi %add3A_155, %mul3A_154 : i32
      %swap3A = arith.index_cast %add3A_156 : i32 to index
      %swap3A_157 = tpu.vector_load %arg10[%swap3A] {strides = array<i32>} : memref<2048xf32, #tpu.memory_space<vmem>>, vector<16xf32>,
      tpu.vector_store %arg10[%swap3A], %add3A_152 {strides = array<i32>} : memref<2048xf32, #tpu.memory_space<vmem>>, vector<16xf32>,
    }
    %scan3A_37 = arith.constant 32 : i32
    %mul3A_38 = arith.constant 4 : i32
    %mul3A_39 = arith.muli %add3A, %mul3A_38 : i32
    %mul3A_40 = arith.constant 512 : i32
    %mul3A_41 = arith.muli %mul3A_39, %mul3A_40 : i32
    "tpu.region"() ({
      %run_scoped3A = tpu.sem_alloc : memref<!tpu.dma_semaphore, #tpu.memory_space<semaphore_mem>>
      %dma_start3A = tpu.memref_slice %arg5[%mul3A_41] : memref<65536xf32, #tpu.memory_space<hbm>> -> memref<2048xf32, #tpu.memory_space<hbm>>
      %dma_start3A_42 = tpu.memref_slice %arg5[%mul3A_41] : memref<65536xf32, #tpu.memory_space<hbm>> -> memref<2048xf32, #tpu.memory_space<hbm>>
      tpu.enqueue_dma source(%arg10 : memref<2048xf32, #tpu.memory_space<vmem>>) target(%dma_start3A_42 : memref<2048xf32, #tpu.memory_space<hbm>>) target_semaphore(%run_scoped3A : memref<!tpu.dma_semaphore, #tpu.memory_space<semaphore_mem>>)
      %dma_wait3A = tpu.memref_slice %arg5[%mul3A_41] : memref<65536xf32, #tpu.memory_space<hbm>> -> memref<2048xf32, #tpu.memory_space<hbm>>
      %dma_wait3A_43 = tpu.memref_slice %arg5[%mul3A_41] : memref<65536xf32, #tpu.memory_space<hbm>> -> memref<2048xf32, #tpu.memory_space<hbm>>
      tpu.wait_dma2 semaphore(%run_scoped3A : memref<!tpu.dma_semaphore, #tpu.memory_space<semaphore_mem>>) src(%arg10 : memref<2048xf32, #tpu.memory_space<vmem>>) dst(%dma_wait3A_43 : memref<2048xf32, #tpu.memory_space<hbm>>)
      tpu.yield
    }) : () -> ()
    return
  }
}

</mosaic_0001>

<sc_bundles>
// kernel: _partials.3.cloned.1.call-start
scs
__scs_entry_jumppad:
0x0: {  	(pc) =	sbr.rel $0x88, $3  }
0x1: {  	(tag) =	ssettag $0x0;
	lr =	simm.s32 $0x1  }
0x2: {  	[smem:$0x3F9E] =	sst lr;
	_ =	strace $0xD0000000  }
0x3: {  	_ = 	snop  }
0x4: {  	_ = 	snop  }
0x5: {  	_ = 	snop  }
0x6: {  	_ = 	snop  }
0x7: {  	_ = 	snop  }
__scs_overlays_trampoline_lowered:
0x8: {  	[smem:$0x3FAD] =	sst s0  }
0x9: {  	[smem:$0x3FAE] =	sst s1  }
0xa: {  	[smem:$0x3FAF] =	sst s2  }
0xb: {  	[smem:$0x3FB0] =	sst s3  }
0xc: {  	[smem:$0x3FB1] =	sst s4  }
0xd: {  	[smem:$0x3FB2] =	sst s5  }
0xe: {  	[smem:$0x3FB3] =	sst s6  }
0xf: {  	[smem:$0x3FB4] =	sst s7  }
0x10: {  	[smem:$0x3FB5] =	sst s8  }
0x11: {  	[smem:$0x3FB6] =	sst s9;
	s0 =	simm.s32 @!p0 $0x0  }
0x12: {  	s1 =	sld [smem:$0x3F9C];
	s0 =	simm.s32 @p0 $0x1  }
0x13: {  	[smem:$0x3FB7] =	sst s0;
	s0 =	simm.s32 @!p1 $0x0  }
0x14: {  	s2 =	sld [smem:$0x3F9B];
	s0 =	simm.s32 @p1 $0x1  }
0x15: {  	[smem:$0x3FB8] =	sst s0;
	s0 =	simm.s32 @!p2 $0x0  }
0x16: {  	s3 =	sld [smem:$0x3FDB];
	s0 =	simm.s32 @p2 $0x1  }
0x17: {  	s4 =	simm.s32 $0x1BF5;
	[smem:$0x3FBA] =	sst s0  }
0x18: {  	s0 =	sld [smem:$0x3F9D];
	_ =	swait.ge [sflag:s4], $0x0  }
0x19: {  	s7 =	sld [smem:$0x3F9E]  }
0x1a: {  	s8 =	sadd.s32 $0xFFFFE003, lr  }
0x1b: {  	s9 =	sadd.s32 $0xFFFFFEF7, lr;
	s5 =	simm.s32 $0xFFFFFFFF;
	p2 =	slt.u32 s8, $0xFFFFF086  }
0x1c: {  	p1 =	slt.u32 s9, $0xF7A;
	s5 =	simm.s32 @!p2 $0x0  }
0x1d: {  	s5 =	simm.s32 @p1 $0x1;
	p0 =	seq.s32 s7, s2  }
0x1e: {  	s7 =	smul.u32 @!p0 $0xF7A, s2;
	p2 =	seq.s32 @!p0 s5, $0x0  }
0x1f: {  	s9 =	smul.u32 $0xF7A, s1;
	s8 =	simm.s32 @!p0 $0x1BF5;
	p2 =	por !p2, p0  }
0x20: {  	[sflag:s8] =	ssyncset.s32 @!p0 $0xFFFFF086;
	s6 =	sadd.s32 @!p0 s3, s7;
	s7 =	simm.s32 @!p0 $0x108  }
0x21: {  	s3 =	sadd.s32 s3, s9;
	s6 =	sadd.s32 @!p0 $0x88, s6;
	s7 =	simm.s32 @p2 $0x1082  }
0x22: {  	[simem:s7], [sflag:s8] =	dma.local @!p0 [hbm:s6], $0xF7A  }
0x23: {  	s9 =	sor.u32 $0xD0000000, s2;
	s6 =	simm.s32 $0x108;
	_ =	swait.ge @!p0 [sflag:s8], $0x0  }
0x24: {  	s3 =	sadd.s32 $0x88, s3;
	s6 =	simm.s32 @!p1 $0x1082;
	[sflag:s4] =	ssyncset.s32 $0xFFFFF086  }
0x25: {  	[simem:s6], [sflag:s4] =	dma.local [hbm:s3], $0xF7A  }
0x26: {  	[smem:$0x3F9E] =	sst s1;
	(tag) =	ssettag s2;
	_ =	strace s9  }
0x27: {  	s1 =	sld [smem:$0x3FAE]  }
0x28: {  	s2 =	sld [smem:$0x3FAF]  }
0x29: {  	s4 =	sld [smem:$0x3FB1]  }
0x2a: {  	p0 =	seq.s32 s5, $0x0;
	s5 =	sld [smem:$0x3FB2]  }
0x2b: {  	s6 =	sld [smem:$0x3FB3]  }
0x2c: {  	s7 =	sld [smem:$0x3FB4]  }
0x2d: {  	s3 =	simm.s32 $0x108;
	s8 =	sld [smem:$0x3FB5]  }
0x2e: {  	s3 =	simm.s32 @!p0 $0x1082;
	s9 =	sld [smem:$0x3FB6]  }
0x2f: {  	lr =	sadd.s32 s0, s3;
	s0 =	sld [smem:$0x3FAD]  }
0x30: {  	s3 =	sld [smem:$0x3FB0]  }
0x31: {  	[smem:$0x3FB9] =	sst s10  }
0x32: {  	s10 =	sld [smem:$0x3FB7];
	_ =	sdelay $0x3  }
0x33: {  	p0 =	seq.s32 s10, $0x1;
	s10 =	sld [smem:$0x3FB9];
	_ =	sdelay $0x3  }
0x34: {  	[smem:$0x3FB9] =	sst s10  }
0x35: {  	s10 =	sld [smem:$0x3FB8];
	_ =	sdelay $0x3  }
0x36: {  	p1 =	seq.s32 s10, $0x1;
	s10 =	sld [smem:$0x3FB9];
	_ =	sdelay $0x3  }
0x37: {  	[smem:$0x3FB9] =	sst s10  }
0x38: {  	s10 =	sld [smem:$0x3FBA]  }
0x39: {  	_ = 	snop;
	(pc) =	sbr.ind lr, $3  }
0x3a: {  	_ = 	snop  }
0x3b: {  	_ = 	snop  }
0x3c: {  	p2 =	seq.s32 s10, $0x1;
	s10 =	sld [smem:$0x3FB9]  }
0x3d: {  	_ =	shalt  }
0x3e: {  	_ =	shalt  }
0x3f: {  	_ =	shalt  }
0x40: {  	_ =	shalt  }
0x41: {  	_ =	shalt  }
0x42: {  	_ =	shalt  }
0x43: {  	_ =	shalt  }
0x44: {  	_ =	shalt  }
0x45: {  	_ =	shalt  }
0x46: {  	_ =	shalt  }
0x47: {  	_ =	shalt  }
0x48: {  	_ =	shalt  }
0x49: {  	_ =	shalt  }
0x4a: {  	_ =	shalt  }
0x4b: {  	_ =	shalt  }
0x4c: {  	_ =	shalt  }
0x4d: {  	_ =	shalt  }
0x4e: {  	_ =	shalt  }
0x4f: {  	_ =	shalt  }
0x50: {  	_ =	shalt  }
0x51: {  	_ =	shalt  }
0x52: {  	_ =	shalt  }
0x53: {  	_ =	shalt  }
0x54: {  	_ =	shalt  }
0x55: {  	_ =	shalt  }
0x56: {  	_ =	shalt  }
0x57: {  	_ =	shalt  }
0x58: {  	_ =	shalt  }
0x59: {  	_ =	shalt  }
0x5a: {  	_ =	shalt  }
0x5b: {  	_ =	shalt  }
0x5c: {  	_ =	shalt  }
0x5d: {  	_ =	shalt  }
0x5e: {  	_ =	shalt  }
0x5f: {  	_ =	shalt  }
0x60: {  	_ =	shalt  }
0x61: {  	_ =	shalt  }
0x62: {  	_ =	shalt  }
0x63: {  	_ =	shalt  }
0x64: {  	_ =	shalt  }
0x65: {  	_ =	shalt  }
0x66: {  	_ =	shalt  }
0x67: {  	_ =	shalt  }
0x68: {  	_ =	shalt  }
0x69: {  	_ =	shalt  }
0x6a: {  	_ =	shalt  }
0x6b: {  	_ =	shalt  }
0x6c: {  	_ =	shalt  }
0x6d: {  	_ =	shalt  }
0x6e: {  	_ =	shalt  }
0x6f: {  	_ =	shalt  }
0x70: {  	_ =	shalt  }
0x71: {  	_ =	shalt  }
0x72: {  	_ =	shalt  }
0x73: {  	_ =	shalt  }
0x74: {  	_ =	shalt  }
0x75: {  	_ =	shalt  }
0x76: {  	_ =	shalt  }
0x77: {  	_ =	shalt  }
0x78: {  	_ =	shalt  }
0x79: {  	_ =	shalt  }
0x7a: {  	_ =	shalt  }
0x7b: {  	_ =	shalt  }
0x7c: {  	_ =	shalt  }
0x7d: {  	_ =	shalt  }
0x7e: {  	_ =	shalt  }
0x7f: {  	_ =	shalt  }
0x80: {  	_ =	shalt  }
0x81: {  	_ =	shalt  }
0x82: {  	_ =	shalt  }
0x83: {  	_ =	shalt  }
0x84: {  	_ =	shalt  }
0x85: {  	_ =	shalt  }
0x86: {  	_ =	shalt  }
0x87: {  	_ =	shalt  }
.Lfunc_end0:
.L_simem_size_0:
called_computation_lowered:
.L_overlay_start_0:
0x88: {  	s2 =	sld [smem:$0x3FD9]  }
0x89: {  	s3 =	sld [smem:$0x3FFE];
	_ =	sdelay $0x1  }
0x8a: {  	s1 =	srdreg.scid  }
0x8b: {  	s0 =	sand.u32 $0x1, s1  }
0x8c: {  	s18 =	sshll.u32 s0, $0xA;
	s2 =	sadd.s32 s3, s2  }
0x8d: {  	s2 =	sadd.s32 s2, s18  }
0x8e: {  	[smem:$0x3FC5] =	sst s2  }
0x8f: {  	_ = 	snop  }
0x90: {  	s2 =	sld [smem:$0x3FC9]  }
0x91: {  	s19 =	sld [smem:$0x3FC8]  }
0x92: {  	s4 =	sld [smem:$0x3FC7]  }
0x93: {  	s5 =	sld [smem:$0x3FD0];
	(tm) =	ssettm $0x1  }
0x94: {  	s6 =	sld [smem:$0x3FFB];
	_ =	sdelay $0x3  }
0x95: {  	_ =	strace s6  }
0x96: {  	s6 =	sld [smem:$0x3FFC];
	_ =	sdelay $0x3  }
0x97: {  	_ =	strace s6  }
0x98: {  	s6 =	sld [smem:$0x3FFD];
	_ =	sdelay $0x3  }
0x99: {  	_ =	strace s6  }
0x9a: {  	_ =	strace $0x8FFFFFFF  }
0x9b: {  	s20 =	sld [smem:$0x3FDB];
	_ =	sdelay $0x1  }
0x9c: {  	s7 =	simm.s32 $_scs_section_size  }
0x9d: {  	s8 =	simm.s32 $_size__tile_overlayer_lowered;
	s9 =	simm.s32 $_tile_overlayer_lowered  }
0x9e: {  	s23 =	simm.s32 $0x1BFF;
	s22 =	sshll.u32 s9, $0x1;
	s6 =	sadd.s32 s7, s20  }
0x9f: {  	s10 =	simm.s32 $0x0;
	s21 =	sshll.u32 s8, $0x1;
	s8 =	sadd.s32 s22, s6  }
0xa0: {  	[timem:s10], [sflag:s23] =	dma.local [hbm:s8], s21  }
0xa1: {  	_ =	swait.ge [sflag:s23], s21  }
0xa2: {  	s7 =	ssub.s32 $0x0, s21;
	[sflag:s23] =	ssyncset.done $0x0  }
0xa3: {  	[sflag:s23] =	ssyncadd.s32 s7;
	_ =	sdelay $0x1  }
0xa4: {  	s24 =	simm.s32 $0x1B8B  }
0xa5: {  	_ =	swait.ge [sflag:s24], $0x1  }
0xa6: {  	[sflag:s24] =	ssyncset.done $0x0  }
0xa7: {  	s25 =	simm.s32 $0x1B8E;
	[sflag:s24] =	ssyncadd.s32 $0xFFFFFFFF  }
0xa8: {  	s26 =	simm.s32 $execute0_lowered;
	[smem:$0x3FD2] =	sst s25  }
0xa9: {  	s7 =	sshll.u32 s26, $0x1;
	_ =	strace $0x80000046;
	[dreg:$0x1] =	wrdreg $0xFFFFFFFF  }
0xaa: {  	s28 =	simm.s32 $_size_execute0_lowered;
	s6 =	sadd.s32 s6, s7;
	[dreg:$0x0] =	wrdreg $0x0  }
0xab: {  	s7 =	sshll.u32 s28, $0x1;
	[dreg:$0x2] =	wrdreg s6  }
0xac: {  	[dreg:$0x3] =	wrdreg s7  }
0xad: {  	[dreg:$0x4] =	wrdreg $0xC0  }
0xae: {  	_ =	task [dreg:s10], $0x5FFFF  }
0xaf: {  	[dreg:$0x1] =	wrdreg $0xFFFFFFFF  }
0xb0: {  	[dreg:$0x0] =	wrdreg $0x60  }
0xb1: {  	[dreg:$0x2] =	wrdreg s2  }
0xb2: {  	[dreg:$0x3] =	wrdreg s19  }
0xb3: {  	[dreg:$0x4] =	wrdreg s4  }
0xb4: {  	[dreg:$0x5] =	wrdreg s5  }
0xb5: {  	[dreg:$0x6] =	wrdreg $0x9  }
0xb6: {  	_ =	task.clear_ibuf [dreg:s10], $0x7FFFF;
	_ =	strace $0x90000046  }
0xb7: {  	s29 =	simm.s32 $0x9;
	_ =	strace $0x80000048  }
0xb8: {  	_ =	swait.ge [sflag:s29], $0x1  }
0xb9: {  	[sflag:s29] =	ssyncadd.s32 $0xFFFFFFFF  }
0xba: {  	_ =	strace $0x90000048  }
0xbb: {  	_ =	sfence  }
0xbc: {  	s30 =	sld [smem:$0x0];
	_ =	sdelay $0x2  }
0xbd: {  	s31 =	sshll.u32 s1, $0xD;
	s1 =	sshrl.u32 s1, $0x2  }
0xbe: {  	s3 =	sand.u32 $0x4000, s31;
	s1 =	sadd.s32 s1, s30  }
0xbf: {  	s0 =	sor.u32 s3, s0;
	s1 =	sshll.u32 s1, $0x11  }
0xc0: {  	s0 =	sor.u32 s1, s0  }
0xc1: {  	s0 =	sadd.s32 $0x8F2B, s0  }
0xc2: {  	[sflag:s0] =	ssyncadd.remote.s32 $0x1  }
0xc3: {  	_ =	sfence.sel $0xFFFF  }
0xc4: {  	[dreg:$0x0] =	wrdreg $0xFFFFFFFF;
	(pc) =	sbr.abs _section_cstart, $3  }
0xc5: {  	[dreg:$0x1] =	wrdreg $0xFFFFFFFF  }
0xc6: {  	_ =	task.clear_ibuf [dreg:s10], $0x2FFFF;
	_ =	strace $0x9FFFFFFF  }
0xc7: {  	(tm) =	ssettm $0x7FFFFFFF  }
tec
execute0_lowered:
.L_overlay_start_1:
0x0: {  	(tag) =	ssettag $0x1  }
0x1: {  	s1 =	rddreg [dreg:$0x0]  }
0x2: {  	s2 =	rddreg [dreg:$0x1]  }
0x3: {  	s4 =	rddreg [dreg:$0x2]  }
0x4: {  	s7 =	rddreg [dreg:$0x3];
	s5 =	srdreg.scid  }
0x5: {  	s0 =	rddreg [dreg:$0x4];
	s3 =	stileid.u32;
	s11 =	simm.s32 $0x4000  }
0x6: {  	s12 =	simm.s32 $0x6000;
	s13 =	simm.s32 $0xE000;
	s14 =	simm.s32 $0x0  }
0x7: {  	s6 =	sand.u32 $0x1, s5;
	s5 =	simm.s32 $0x0;
	s9 =	sshll.u32 s3, $0x1  }
0x8: {  	v0 =	vlaneseq.u32;
	s8 =	ssub.s32 $0x2, s6;
	[smem:$0x7FF] =	sst s5;
	s6 =	sor.u32 s6, s9  }
0x9: {  	v0 =	vmul.u32 $0x200, v0;
	s10 =	sshrl.u32 s8, $0x1;
	_ =	strace $0x80000047;
	s9 =	sshll.u32 s6, $0x8  }
0xa: {  	v1 =	vimm.f32 $0.0e+00;
	v2 =	vimm.f32 $1.000000000e+00;
	s6 =	sshll.u32 s6, $0xF;
	s8 =	ssub.s32 s8, s10;
	s7 =	sadd.s32 s7, s9  }
0xb: {  	v3 =	vor.u32 $0x2000, v0;
	v4 =	vor.u32 $0x4000, v0;
	v5 =	vor.u32 $0x6000, v0;
	s9 =	simm.s32 $0x1;
	s10 =	simm.s32 $0x2000;
	s8 =	smax.u32 s8, $0x1  }
.LBB2_1:
0xc: {  	s15 =	simm.s32 $0x40;
	s16 =	simm.s32 $0x0  }
.LBB2_2:
0xd: {  	p0 =	sne.s32 s15, $0x1FFC0;
	[tilespmem:s16+$0x6000] =	vst v1;
	s16 =	smov.u32 s15;
	s15 =	sadd.s32 $0x40, s15  }
.Ltmp0:
0xe: {  	(pc) =	sbr.rel @p0 .LBB2_2-.Ltmp0, $2  }
0xf: {  	_ =	sdelay $0x2  }
0x10: {  	s16 =	sshra.s32 s16, $0x2  }
0x11: {  	[tilespmem:s16+$0x6000] =	vst v1;
	s15 =	simm.s32 $0x0;
	s16 =	simm.s32 $0x0  }
.LBB2_4:
0x12: {  	s17 =	sshll.u32 s16, $0xA  }
0x13: {  	s17 =	sadd.s32 s6, s17  }
0x14: {  	s18 =	sadd.s32 s4, s17  }
0x15: {  	[tilespmem:s15], [sflag:$0x1] =	stream.linear.gather [hbm4b:s18+s15], $0x2000, $0x38;
	[tilespmem:$0xE800] =	vst v63  }
0x16: {  	_ =	swait.ge [sflag:s9], $0x2000  }
0x17: {  	[sflag:s9] =	ssyncset.done $0x0  }
0x18: {  	s30 =	sadd.s32 s2, s17;
	[sflag:s9] =	ssyncadd.s32 $0xFFFFE000  }
0x19: {  	[tilespmem:s10], [sflag:$0x1] =	stream.linear.gather [hbm4b:s30+s15], $0x2000, $0x38;
	[tilespmem:$0xE800] =	vst v63  }
0x1a: {  	_ =	swait.ge [sflag:s9], $0x2000  }
0x1b: {  	[sflag:s9] =	ssyncset.done $0x0  }
0x1c: {  	s17 =	sadd.s32 s1, s17;
	[sflag:s9] =	ssyncadd.s32 $0xFFFFE000  }
0x1d: {  	[tilespmem:s11], [sflag:$0x1] =	stream.linear.gather [hbm4b:s17+s15], $0x2000, $0x38;
	[tilespmem:$0xE800] =	vst v63  }
0x1e: {  	_ =	swait.ge [sflag:s9], $0x2000  }
0x1f: {  	[sflag:s9] =	ssyncset.done $0x0  }
0x20: {  	s31 =	simm.s32 $0x0;
	[sflag:s9] =	ssyncadd.s32 $0xFFFFE000  }
0x21: {  	v7 =	vld [tilespmem:s31+$0x0]  }
0x22: {  	v6 =	vld [tilespmem:s31+$0x2000]  }
0x23: {  	s17 =	simm.s32 $0x40;
	v8 =	vld [tilespmem:s31+$0x4000]  }
.LBB2_5:
0x24: {  	p0 =	sne.s32 s17, $0x7FC0;
	_ =	sdelay $0x1  }
0x25: {  	v9 =	vadd.s32 v0, v7  }
0x26: {  	v10 =	vadd.s32 v3, v7  }
0x27: {  	v11 =	vadd.s32 v4, v7  }
0x28: {  	v7 =	vadd.s32 v5, v7  }
0x29: {  	v8 =	vsub.f32 v6, v8  }
0x2a: {  	[tilespmem:v9+s12+$0x0] =	vst.idx.add.f32.msk $0xffff, v2;
	v9 =	vmul.f32 v6, v6  }
0x2b: {  	[tilespmem:v10+s12+$0x0] =	vst.idx.add.f32.msk $0xffff, v6;
	v6 =	vmul.f32 v8, v8  }
.Ltmp1:
0x2c: {  	[tilespmem:v11+s12+$0x0] =	vst.idx.add.f32.msk $0xffff, v9;
	(pc) =	sbr.rel @p0 .LBB2_5-.Ltmp1, $4  }
0x2d: {  	s18 =	sshra.s32 s17, $0x2;
	[tilespmem:v7+s12+$0x0] =	vst.idx.add.f32.msk $0xffff, v6  }
0x2e: {  	v7 =	vld [tilespmem:s18+$0x0]  }
0x2f: {  	v6 =	vld [tilespmem:s18+$0x2000]  }
0x30: {  	s17 =	sadd.s32 $0x40, s17;
	v8 =	vld [tilespmem:s18+$0x4000]  }
0x31: {  	_ =	sdelay $0x1  }
0x32: {  	v9 =	vadd.s32 v0, v7  }
0x33: {  	v10 =	vadd.s32 v3, v7  }
0x34: {  	s16 =	sadd.s32 $0x1, s16;
	v11 =	vadd.s32 v4, v7  }
0x35: {  	p0 =	sne.s32 s16, $0x20;
	v7 =	vadd.s32 v5, v7  }
.Ltmp2:
0x36: {  	v8 =	vsub.f32 v6, v8;
	(pc) =	sbr.rel @p0 .LBB2_4-.Ltmp2, $4  }
0x37: {  	v63 =	vmul.f32 v6, v6;
	[tilespmem:v9+s12+$0x0] =	vst.idx.add.f32.msk $0xffff, v2  }
0x38: {  	[tilespmem:v10+s12+$0x0] =	vst.idx.add.f32.msk $0xffff, v6;
	v6 =	vmul.f32 v8, v8  }
0x39: {  	[tilespmem:v11+s12+$0x0] =	vst.idx.add.f32.msk $0xffff, v63  }
0x3a: {  	[tilespmem:v7+s12+$0x0] =	vst.idx.add.f32.msk $0xffff, v6  }
0x3b: {  	s15 =	simm.s32 $0x0;
	s16 =	simm.s32 $0x6000  }
0x3c: {  	s15 =	sand.u32 $0x1F0, s15;
	v7 =	vld [tilespmem:s16+$0x0]  }
0x3d: {  	v6 =	vld [tilespmem:s15+$0x6200];
	_ =	sdelay $0x1  }
0x3e: {  	v8 =	vld [tilespmem:s15+$0x6400];
	_ =	sdelay $0x1  }
0x3f: {  	v9 =	vld [tilespmem:s15+$0x6600]  }
0x40: {  	v6 =	vadd.f32 v6, v7  }
0x41: {  	v7 =	vld [tilespmem:s15+$0x6800]  }
0x42: {  	v6 =	vadd.f32 v8, v6  }
0x43: {  	v8 =	vld [tilespmem:s15+$0x6A00]  }
0x44: {  	v6 =	vadd.f32 v9, v6  }
0x45: {  	v60 =	vld [tilespmem:s15+$0x6C00]  }
0x46: {  	v6 =	vadd.f32 v7, v6  }
0x47: {  	v7 =	vld [tilespmem:s15+$0x6E00]  }
0x48: {  	v6 =	vadd.f32 v8, v6  }
0x49: {  	v8 =	vld [tilespmem:s15+$0x7000]  }
0x4a: {  	v6 =	vadd.f32 v60, v6  }
0x4b: {  	v61 =	vld [tilespmem:s15+$0x7200]  }
0x4c: {  	v6 =	vadd.f32 v7, v6  }
0x4d: {  	v7 =	vld [tilespmem:s15+$0x7400]  }
0x4e: {  	v6 =	vadd.f32 v8, v6  }
0x4f: {  	v8 =	vld [tilespmem:s15+$0x7600]  }
0x50: {  	v6 =	vadd.f32 v61, v6  }
0x51: {  	v62 =	vld [tilespmem:s15+$0x7800]  }
0x52: {  	v6 =	vadd.f32 v7, v6  }
0x53: {  	v7 =	vld [tilespmem:s15+$0x7A00]  }
0x54: {  	v6 =	vadd.f32 v8, v6  }
0x55: {  	v8 =	vld [tilespmem:s15+$0x7C00]  }
0x56: {  	v6 =	vadd.f32 v62, v6  }
0x57: {  	v63 =	vld [tilespmem:s15+$0x7E00]  }
0x58: {  	v6 =	vadd.f32 v7, v6;
	_ =	sdelay $0x1  }
0x59: {  	v6 =	vadd.f32 v8, v6;
	_ =	sdelay $0x1  }
0x5a: {  	v6 =	vadd.f32 v63, v6  }
0x5b: {  	s17 =	simm.s32 $0xE000;
	s16 =	simm.s32 $0x10  }
0x5c: {  	s18 =	sand.u32 $0x1F0, s16;
	[tilespmem:s17+$0x0] =	vst v6  }
0x5d: {  	s20 =	simm.s32 $0x20;
	s19 =	simm.s32 $0x6010;
	v6 =	vld [tilespmem:s18+$0x6200]  }
.LBB2_8:
0x5e: {  	p0 =	sne.s32 s20, $0x1F0;
	v7 =	vld [tilespmem:s19+$0x0];
	_ =	sdelay $0x1  }
0x5f: {  	v8 =	vld [tilespmem:s18+$0x6400];
	_ =	sdelay $0x1  }
0x60: {  	v9 =	vld [tilespmem:s18+$0x6600]  }
0x61: {  	v6 =	vadd.f32 v6, v7  }
0x62: {  	v7 =	vld [tilespmem:s18+$0x6800]  }
0x63: {  	v6 =	vadd.f32 v8, v6  }
0x64: {  	v8 =	vld [tilespmem:s18+$0x6A00]  }
0x65: {  	v6 =	vadd.f32 v9, v6  }
0x66: {  	v9 =	vld [tilespmem:s18+$0x6C00]  }
0x67: {  	v6 =	vadd.f32 v7, v6  }
0x68: {  	v7 =	vld [tilespmem:s18+$0x6E00]  }
0x69: {  	v6 =	vadd.f32 v8, v6  }
0x6a: {  	v8 =	vld [tilespmem:s18+$0x7000]  }
0x6b: {  	v6 =	vadd.f32 v9, v6  }
0x6c: {  	v9 =	vld [tilespmem:s18+$0x7200]  }
0x6d: {  	v6 =	vadd.f32 v7, v6  }
0x6e: {  	v7 =	vld [tilespmem:s18+$0x7400]  }
0x6f: {  	v6 =	vadd.f32 v8, v6  }
0x70: {  	v8 =	vld [tilespmem:s18+$0x7600]  }
0x71: {  	v6 =	vadd.f32 v9, v6  }
0x72: {  	v9 =	vld [tilespmem:s18+$0x7800]  }
0x73: {  	v6 =	vadd.f32 v7, v6  }
0x74: {  	v7 =	vld [tilespmem:s18+$0x7A00]  }
0x75: {  	v6 =	vadd.f32 v8, v6  }
0x76: {  	v8 =	vld [tilespmem:s18+$0x7C00]  }
0x77: {  	v6 =	vadd.f32 v9, v6  }
0x78: {  	v9 =	vld [tilespmem:s18+$0x7E00]  }
0x79: {  	v6 =	vadd.f32 v7, v6;
	_ =	sdelay $0x1  }
0x7a: {  	v6 =	vadd.f32 v8, v6  }
.Ltmp3:
0x7b: {  	(pc) =	sbr.rel @p0 .LBB2_8-.Ltmp3, $4  }
0x7c: {  	v6 =	vadd.f32 v9, v6  }
0x7d: {  	s17 =	sadd.s32 $0x10, s17  }
0x7e: {  	s18 =	sand.u32 $0x1F0, s20;
	[tilespmem:s17+$0x0] =	vst v6  }
0x7f: {  	s19 =	sadd.s32 $0x10, s19;
	s20 =	sadd.s32 $0x10, s20;
	v6 =	vld [tilespmem:s18+$0x6200]  }
0x80: {  	v7 =	vld [tilespmem:s19+$0x0];
	_ =	sdelay $0x1  }
0x81: {  	v8 =	vld [tilespmem:s18+$0x6400];
	_ =	sdelay $0x1  }
0x82: {  	v9 =	vld [tilespmem:s18+$0x6600]  }
0x83: {  	v6 =	vadd.f32 v6, v7  }
0x84: {  	v7 =	vld [tilespmem:s18+$0x6800]  }
0x85: {  	v6 =	vadd.f32 v8, v6  }
0x86: {  	v8 =	vld [tilespmem:s18+$0x6A00]  }
0x87: {  	v6 =	vadd.f32 v9, v6  }
0x88: {  	v9 =	vld [tilespmem:s18+$0x6C00]  }
0x89: {  	v6 =	vadd.f32 v7, v6  }
0x8a: {  	v7 =	vld [tilespmem:s18+$0x6E00]  }
0x8b: {  	v6 =	vadd.f32 v8, v6  }
0x8c: {  	v8 =	vld [tilespmem:s18+$0x7000]  }
0x8d: {  	v6 =	vadd.f32 v9, v6  }
0x8e: {  	v9 =	vld [tilespmem:s18+$0x7200]  }
0x8f: {  	v6 =	vadd.f32 v7, v6  }
0x90: {  	v7 =	vld [tilespmem:s18+$0x7400]  }
0x91: {  	v6 =	vadd.f32 v8, v6  }
0x92: {  	v8 =	vld [tilespmem:s18+$0x7600]  }
0x93: {  	v6 =	vadd.f32 v9, v6  }
0x94: {  	v9 =	vld [tilespmem:s18+$0x7800]  }
0x95: {  	v6 =	vadd.f32 v7, v6  }
0x96: {  	v7 =	vld [tilespmem:s18+$0x7A00]  }
0x97: {  	v6 =	vadd.f32 v8, v6  }
0x98: {  	v8 =	vld [tilespmem:s18+$0x7C00]  }
0x99: {  	v6 =	vadd.f32 v9, v6  }
0x9a: {  	v9 =	vld [tilespmem:s18+$0x7E00]  }
0x9b: {  	v6 =	vadd.f32 v7, v6;
	_ =	sdelay $0x1  }
0x9c: {  	v6 =	vadd.f32 v8, v6;
	_ =	sdelay $0x1  }
0x9d: {  	v6 =	vadd.f32 v9, v6  }
0x9e: {  	s17 =	sadd.s32 $0x10, s17  }
0x9f: {  	[tilespmem:s17+$0x0] =	vst v6  }
0xa0: {  	v6 =	vld [tilespmem:s15+$0x8000]  }
0xa1: {  	v7 =	vld [tilespmem:s15+$0x8200];
	_ =	sdelay $0x1  }
0xa2: {  	v8 =	vld [tilespmem:s15+$0x8400];
	_ =	sdelay $0x1  }
0xa3: {  	v9 =	vld [tilespmem:s15+$0x8600]  }
0xa4: {  	v6 =	vadd.f32 v7, v6  }
0xa5: {  	v7 =	vld [tilespmem:s15+$0x8800]  }
0xa6: {  	v6 =	vadd.f32 v8, v6  }
0xa7: {  	v8 =	vld [tilespmem:s15+$0x8A00]  }
0xa8: {  	v6 =	vadd.f32 v9, v6  }
0xa9: {  	v9 =	vld [tilespmem:s15+$0x8C00]  }
0xaa: {  	v6 =	vadd.f32 v7, v6  }
0xab: {  	v7 =	vld [tilespmem:s15+$0x8E00]  }
0xac: {  	s16 =	sand.u32 $0x1F0, s16;
	v10 =	vld [tilespmem:s15+$0x9000];
	v6 =	vadd.f32 v8, v6  }
0xad: {  	v11 =	vld [tilespmem:s16+$0x8000]  }
0xae: {  	v8 =	vld [tilespmem:s15+$0x9200];
	v6 =	vadd.f32 v9, v6  }
0xaf: {  	v9 =	vld [tilespmem:s16+$0x8200]  }
0xb0: {  	v12 =	vld [tilespmem:s16+$0x8400];
	v6 =	vadd.f32 v7, v6  }
0xb1: {  	v7 =	vld [tilespmem:s15+$0x9400]  }
0xb2: {  	v13 =	vld [tilespmem:s16+$0x8600];
	v6 =	vadd.f32 v10, v6  }
0xb3: {  	v10 =	vld [tilespmem:s15+$0x9600]  }
0xb4: {  	v9 =	vadd.f32 v9, v11;
	v11 =	vld [tilespmem:s16+$0x8800];
	v6 =	vadd.f32 v8, v6  }
0xb5: {  	v8 =	vld [tilespmem:s15+$0x9800]  }
0xb6: {  	v14 =	vld [tilespmem:s16+$0x8A00];
	v9 =	vadd.f32 v12, v9;
	v6 =	vadd.f32 v7, v6  }
0xb7: {  	v12 =	vld [tilespmem:s15+$0x9A00]  }
0xb8: {  	v15 =	vld [tilespmem:s16+$0x8C00];
	v7 =	vadd.f32 v13, v9;
	v6 =	vadd.f32 v10, v6  }
0xb9: {  	v13 =	vld [tilespmem:s15+$0x9C00]  }
0xba: {  	v9 =	vld [tilespmem:s16+$0x8E00];
	v10 =	vadd.f32 v11, v7;
	v8 =	vadd.f32 v8, v6  }
0xbb: {  	v7 =	vld [tilespmem:s15+$0x9E00]  }
0xbc: {  	s31 =	simm.s32 $0x20;
	v6 =	vld [tilespmem:s16+$0x9200];
	v11 =	vadd.f32 v14, v10;
	v12 =	vadd.f32 v12, v8  }
0xbd: {  	s17 =	sand.u32 $0x1F0, s31;
	v10 =	vld [tilespmem:s16+$0x9000]  }
0xbe: {  	s18 =	simm.s32 $0x30;
	v8 =	vld [tilespmem:s17+$0x8000];
	v11 =	vadd.f32 v15, v11;
	v12 =	vadd.f32 v13, v12  }
.LBB2_10:
0xbf: {  	p0 =	sne.s32 s18, $0x1F0;
	v13 =	vld [tilespmem:s17+$0x8200]  }
0xc0: {  	v9 =	vadd.f32 v9, v11;
	v11 =	vld [tilespmem:s16+$0x9400];
	v7 =	vadd.f32 v7, v12  }
0xc1: {  	v12 =	vld [tilespmem:s17+$0x8400]  }
0xc2: {  	v9 =	vadd.f32 v10, v9;
	v10 =	vld [tilespmem:s16+$0x9600];
	[tilespmem:s15+$0xE200] =	vst v7;
	s15 =	smov.u32 s16;
	s16 =	smov.u32 s17  }
0xc3: {  	v7 =	vld [tilespmem:s16+$0x8600]  }
0xc4: {  	v8 =	vadd.f32 v13, v8;
	v6 =	vadd.f32 v6, v9;
	v9 =	vld [tilespmem:s15+$0x9800]  }
0xc5: {  	v13 =	vld [tilespmem:s16+$0x8800]  }
0xc6: {  	v8 =	vadd.f32 v12, v8;
	v6 =	vadd.f32 v11, v6;
	v11 =	vld [tilespmem:s15+$0x9A00]  }
0xc7: {  	v12 =	vld [tilespmem:s16+$0x8A00]  }
0xc8: {  	v7 =	vadd.f32 v7, v8;
	v6 =	vadd.f32 v10, v6;
	v14 =	vld [tilespmem:s15+$0x9C00]  }
0xc9: {  	v15 =	vld [tilespmem:s16+$0x8C00]  }
.Ltmp4:
0xca: {  	v8 =	vadd.f32 v13, v7;
	v10 =	vadd.f32 v9, v6;
	v7 =	vld [tilespmem:s15+$0x9E00];
	(pc) =	sbr.rel @p0 .LBB2_10-.Ltmp4, $4  }
0xcb: {  	v9 =	vld [tilespmem:s16+$0x8E00]  }
0xcc: {  	v12 =	vadd.f32 v12, v8;
	v6 =	vld [tilespmem:s16+$0x9200];
	v13 =	vadd.f32 v11, v10  }
0xcd: {  	s17 =	sand.u32 $0x1F0, s18;
	v10 =	vld [tilespmem:s16+$0x9000]  }
0xce: {  	s18 =	sadd.s32 $0x10, s18;
	v8 =	vld [tilespmem:s17+$0x8000];
	v11 =	vadd.f32 v15, v12;
	v12 =	vadd.f32 v14, v13  }
0xcf: {  	v13 =	vld [tilespmem:s17+$0x8200]  }
0xd0: {  	v14 =	vld [tilespmem:s16+$0x9400];
	v7 =	vadd.f32 v7, v12  }
0xd1: {  	v12 =	vld [tilespmem:s17+$0x8400]  }
0xd2: {  	v15 =	vld [tilespmem:s16+$0x9600];
	v9 =	vadd.f32 v9, v11;
	[tilespmem:s15+$0xE200] =	vst v7  }
0xd3: {  	v7 =	vld [tilespmem:s17+$0x8600]  }
0xd4: {  	v9 =	vadd.f32 v10, v9;
	v8 =	vadd.f32 v13, v8  }
0xd5: {  	v10 =	vld [tilespmem:s17+$0x8800]  }
0xd6: {  	v11 =	vld [tilespmem:s17+$0x8A00];
	v6 =	vadd.f32 v6, v9;
	v8 =	vadd.f32 v12, v8  }
0xd7: {  	v9 =	vld [tilespmem:s16+$0x9800]  }
0xd8: {  	v6 =	vadd.f32 v14, v6;
	v12 =	vld [tilespmem:s16+$0x9A00];
	v7 =	vadd.f32 v7, v8  }
0xd9: {  	v8 =	vld [tilespmem:s17+$0x8C00]  }
0xda: {  	v13 =	vld [tilespmem:s16+$0x9C00];
	v6 =	vadd.f32 v15, v6;
	v7 =	vadd.f32 v10, v7  }
0xdb: {  	v10 =	vld [tilespmem:s17+$0x8E00]  }
0xdc: {  	v6 =	vadd.f32 v9, v6;
	v9 =	vld [tilespmem:s16+$0x9E00];
	v7 =	vadd.f32 v11, v7  }
0xdd: {  	v11 =	vld [tilespmem:s17+$0x9000]  }
0xde: {  	v6 =	vadd.f32 v12, v6;
	v7 =	vadd.f32 v8, v7  }
0xdf: {  	v8 =	vld [tilespmem:s17+$0x9200]  }
0xe0: {  	v6 =	vadd.f32 v13, v6;
	v7 =	vadd.f32 v10, v7  }
0xe1: {  	v10 =	vld [tilespmem:s17+$0x9400]  }
0xe2: {  	v6 =	vadd.f32 v9, v6;
	v7 =	vadd.f32 v11, v7  }
0xe3: {  	v9 =	vld [tilespmem:s17+$0x9600]  }
0xe4: {  	[tilespmem:s16+$0xE200] =	vst v6;
	v6 =	vadd.f32 v8, v7  }
0xe5: {  	v7 =	vld [tilespmem:s17+$0x9800]  }
0xe6: {  	v6 =	vadd.f32 v10, v6  }
0xe7: {  	v8 =	vld [tilespmem:s17+$0x9A00]  }
0xe8: {  	v6 =	vadd.f32 v9, v6  }
0xe9: {  	v9 =	vld [tilespmem:s17+$0x9C00]  }
0xea: {  	v6 =	vadd.f32 v7, v6  }
0xeb: {  	v7 =	vld [tilespmem:s17+$0x9E00]  }
0xec: {  	v6 =	vadd.f32 v8, v6;
	_ =	sdelay $0x1  }
0xed: {  	v6 =	vadd.f32 v9, v6;
	_ =	sdelay $0x1  }
0xee: {  	v6 =	vadd.f32 v7, v6  }
0xef: {  	s30 =	simm.s32 $0x0  }
0xf0: {  	s16 =	sand.u32 $0x1F0, s30;
	[tilespmem:s17+$0xE200] =	vst v6  }
0xf1: {  	v6 =	vld [tilespmem:s16+$0xA000]  }
0xf2: {  	v7 =	vld [tilespmem:s16+$0xA200];
	_ =	sdelay $0x1  }
0xf3: {  	v8 =	vld [tilespmem:s16+$0xA400];
	_ =	sdelay $0x1  }
0xf4: {  	v9 =	vld [tilespmem:s16+$0xA600]  }
0xf5: {  	v6 =	vadd.f32 v7, v6  }
0xf6: {  	v7 =	vld [tilespmem:s16+$0xA800]  }
0xf7: {  	v6 =	vadd.f32 v8, v6  }
0xf8: {  	v8 =	vld [tilespmem:s16+$0xAA00]  }
0xf9: {  	v6 =	vadd.f32 v9, v6  }
0xfa: {  	v9 =	vld [tilespmem:s16+$0xAC00]  }
0xfb: {  	v6 =	vadd.f32 v7, v6  }
0xfc: {  	s31 =	simm.s32 $0x10;
	v7 =	vld [tilespmem:s16+$0xAE00]  }
0xfd: {  	s15 =	sand.u32 $0x1F0, s31;
	v10 =	vld [tilespmem:s16+$0xB000];
	v6 =	vadd.f32 v8, v6  }
0xfe: {  	v11 =	vld [tilespmem:s15+$0xA000]  }
0xff: {  	v8 =	vld [tilespmem:s16+$0xB200];
	v6 =	vadd.f32 v9, v6  }
0x100: {  	v9 =	vld [tilespmem:s15+$0xA200]  }
0x101: {  	v12 =	vld [tilespmem:s15+$0xA400];
	v6 =	vadd.f32 v7, v6  }
0x102: {  	v7 =	vld [tilespmem:s16+$0xB400]  }
0x103: {  	v13 =	vld [tilespmem:s15+$0xA600];
	v6 =	vadd.f32 v10, v6  }
0x104: {  	v10 =	vld [tilespmem:s16+$0xB600]  }
0x105: {  	v9 =	vadd.f32 v9, v11;
	v11 =	vld [tilespmem:s15+$0xA800];
	v6 =	vadd.f32 v8, v6  }
0x106: {  	v8 =	vld [tilespmem:s16+$0xB800]  }
0x107: {  	v14 =	vld [tilespmem:s15+$0xAA00];
	v9 =	vadd.f32 v12, v9;
	v6 =	vadd.f32 v7, v6  }
0x108: {  	v12 =	vld [tilespmem:s16+$0xBA00]  }
0x109: {  	v15 =	vld [tilespmem:s15+$0xAC00];
	v7 =	vadd.f32 v13, v9;
	v6 =	vadd.f32 v10, v6  }
0x10a: {  	v13 =	vld [tilespmem:s16+$0xBC00]  }
0x10b: {  	v9 =	vld [tilespmem:s15+$0xAE00];
	v10 =	vadd.f32 v11, v7;
	v8 =	vadd.f32 v8, v6  }
0x10c: {  	v7 =	vld [tilespmem:s16+$0xBE00]  }
0x10d: {  	s17 =	simm.s32 $0x20;
	v6 =	vld [tilespmem:s15+$0xB200];
	v11 =	vadd.f32 v14, v10;
	v12 =	vadd.f32 v12, v8  }
0x10e: {  	s19 =	sand.u32 $0x1F0, s17;
	v10 =	vld [tilespmem:s15+$0xB000]  }
0x10f: {  	s21 =	simm.s32 $0x30;
	s18 =	smov.u32 s15;
	s20 =	smov.u32 s16;
	v8 =	vld [tilespmem:s19+$0xA000];
	v11 =	vadd.f32 v15, v11;
	v12 =	vadd.f32 v13, v12  }
.LBB2_12:
0x110: {  	p0 =	sne.s32 s21, $0x1F0;
	v13 =	vld [tilespmem:s19+$0xA200]  }
0x111: {  	v9 =	vadd.f32 v9, v11;
	v11 =	vld [tilespmem:s18+$0xB400];
	v7 =	vadd.f32 v7, v12  }
0x112: {  	v12 =	vld [tilespmem:s19+$0xA400]  }
0x113: {  	v9 =	vadd.f32 v10, v9;
	v10 =	vld [tilespmem:s18+$0xB600];
	[tilespmem:s20+$0xE400] =	vst v7;
	s20 =	smov.u32 s18;
	s18 =	smov.u32 s19  }
0x114: {  	v7 =	vld [tilespmem:s18+$0xA600]  }
0x115: {  	v8 =	vadd.f32 v13, v8;
	v6 =	vadd.f32 v6, v9;
	v9 =	vld [tilespmem:s20+$0xB800]  }
0x116: {  	v13 =	vld [tilespmem:s18+$0xA800]  }
0x117: {  	v8 =	vadd.f32 v12, v8;
	v6 =	vadd.f32 v11, v6;
	v11 =	vld [tilespmem:s20+$0xBA00]  }
0x118: {  	v12 =	vld [tilespmem:s18+$0xAA00]  }
0x119: {  	v7 =	vadd.f32 v7, v8;
	v6 =	vadd.f32 v10, v6;
	v14 =	vld [tilespmem:s20+$0xBC00]  }
0x11a: {  	v15 =	vld [tilespmem:s18+$0xAC00]  }
.Ltmp5:
0x11b: {  	v8 =	vadd.f32 v13, v7;
	v10 =	vadd.f32 v9, v6;
	v7 =	vld [tilespmem:s20+$0xBE00];
	(pc) =	sbr.rel @p0 .LBB2_12-.Ltmp5, $4  }
0x11c: {  	v9 =	vld [tilespmem:s18+$0xAE00]  }
0x11d: {  	v12 =	vadd.f32 v12, v8;
	v6 =	vld [tilespmem:s18+$0xB200];
	v13 =	vadd.f32 v11, v10  }
0x11e: {  	s19 =	sand.u32 $0x1F0, s21;
	v10 =	vld [tilespmem:s18+$0xB000]  }
0x11f: {  	s21 =	sadd.s32 $0x10, s21;
	v8 =	vld [tilespmem:s19+$0xA000];
	v11 =	vadd.f32 v15, v12;
	v12 =	vadd.f32 v14, v13  }
0x120: {  	v13 =	vld [tilespmem:s19+$0xA200]  }
0x121: {  	v14 =	vld [tilespmem:s18+$0xB400];
	v7 =	vadd.f32 v7, v12  }
0x122: {  	v12 =	vld [tilespmem:s19+$0xA400]  }
0x123: {  	v15 =	vld [tilespmem:s18+$0xB600];
	v9 =	vadd.f32 v9, v11;
	[tilespmem:s20+$0xE400] =	vst v7  }
0x124: {  	v7 =	vld [tilespmem:s19+$0xA600]  }
0x125: {  	v9 =	vadd.f32 v10, v9;
	v8 =	vadd.f32 v13, v8  }
0x126: {  	v10 =	vld [tilespmem:s19+$0xA800]  }
0x127: {  	v11 =	vld [tilespmem:s19+$0xAA00];
	v6 =	vadd.f32 v6, v9;
	v8 =	vadd.f32 v12, v8  }
0x128: {  	v9 =	vld [tilespmem:s18+$0xB800]  }
0x129: {  	v6 =	vadd.f32 v14, v6;
	v12 =	vld [tilespmem:s18+$0xBA00];
	v7 =	vadd.f32 v7, v8  }
0x12a: {  	v8 =	vld [tilespmem:s19+$0xAC00]  }
0x12b: {  	v13 =	vld [tilespmem:s18+$0xBC00];
	v6 =	vadd.f32 v15, v6;
	v7 =	vadd.f32 v10, v7  }
0x12c: {  	v10 =	vld [tilespmem:s19+$0xAE00]  }
0x12d: {  	v6 =	vadd.f32 v9, v6;
	v9 =	vld [tilespmem:s18+$0xBE00];
	v7 =	vadd.f32 v11, v7  }
0x12e: {  	v11 =	vld [tilespmem:s19+$0xB000]  }
0x12f: {  	v6 =	vadd.f32 v12, v6;
	v7 =	vadd.f32 v8, v7  }
0x130: {  	v8 =	vld [tilespmem:s19+$0xB200]  }
0x131: {  	v6 =	vadd.f32 v13, v6;
	v7 =	vadd.f32 v10, v7  }
0x132: {  	v10 =	vld [tilespmem:s19+$0xB400]  }
0x133: {  	v6 =	vadd.f32 v9, v6;
	v7 =	vadd.f32 v11, v7  }
0x134: {  	v9 =	vld [tilespmem:s19+$0xB600]  }
0x135: {  	[tilespmem:s18+$0xE400] =	vst v6;
	v6 =	vadd.f32 v8, v7  }
0x136: {  	v7 =	vld [tilespmem:s19+$0xB800]  }
0x137: {  	v6 =	vadd.f32 v10, v6  }
0x138: {  	v8 =	vld [tilespmem:s19+$0xBA00]  }
0x139: {  	v6 =	vadd.f32 v9, v6  }
0x13a: {  	v9 =	vld [tilespmem:s19+$0xBC00]  }
0x13b: {  	v6 =	vadd.f32 v7, v6  }
0x13c: {  	v7 =	vld [tilespmem:s19+$0xBE00]  }
0x13d: {  	v6 =	vadd.f32 v8, v6;
	_ =	sdelay $0x1  }
0x13e: {  	v6 =	vadd.f32 v9, v6;
	_ =	sdelay $0x1  }
0x13f: {  	v6 =	vadd.f32 v7, v6;
	_ =	sdelay $0x1  }
0x140: {  	[tilespmem:s19+$0xE400] =	vst v6  }
0x141: {  	v6 =	vld [tilespmem:s16+$0xC000]  }
0x142: {  	v7 =	vld [tilespmem:s16+$0xC200];
	_ =	sdelay $0x1  }
0x143: {  	v8 =	vld [tilespmem:s16+$0xC400];
	_ =	sdelay $0x1  }
0x144: {  	v9 =	vld [tilespmem:s16+$0xC600]  }
0x145: {  	v6 =	vadd.f32 v7, v6  }
0x146: {  	v7 =	vld [tilespmem:s16+$0xC800]  }
0x147: {  	v6 =	vadd.f32 v8, v6  }
0x148: {  	v8 =	vld [tilespmem:s16+$0xCA00]  }
0x149: {  	v6 =	vadd.f32 v9, v6  }
0x14a: {  	v9 =	vld [tilespmem:s16+$0xCC00]  }
0x14b: {  	v6 =	vadd.f32 v7, v6  }
0x14c: {  	v7 =	vld [tilespmem:s16+$0xCE00]  }
0x14d: {  	v10 =	vld [tilespmem:s16+$0xD000];
	v6 =	vadd.f32 v8, v6  }
0x14e: {  	v11 =	vld [tilespmem:s15+$0xC000]  }
0x14f: {  	v8 =	vld [tilespmem:s16+$0xD200];
	v6 =	vadd.f32 v9, v6  }
0x150: {  	v9 =	vld [tilespmem:s15+$0xC200]  }
0x151: {  	v12 =	vld [tilespmem:s15+$0xC400];
	v6 =	vadd.f32 v7, v6  }
0x152: {  	v7 =	vld [tilespmem:s16+$0xD400]  }
0x153: {  	v13 =	vld [tilespmem:s15+$0xC600];
	v6 =	vadd.f32 v10, v6  }
0x154: {  	v10 =	vld [tilespmem:s16+$0xD600]  }
0x155: {  	v9 =	vadd.f32 v9, v11;
	v11 =	vld [tilespmem:s15+$0xC800];
	v6 =	vadd.f32 v8, v6  }
0x156: {  	v8 =	vld [tilespmem:s16+$0xD800]  }
0x157: {  	v9 =	vadd.f32 v12, v9;
	v12 =	vld [tilespmem:s15+$0xCA00];
	v6 =	vadd.f32 v7, v6  }
0x158: {  	v7 =	vld [tilespmem:s16+$0xDA00]  }
0x159: {  	v14 =	vld [tilespmem:s15+$0xCC00];
	v9 =	vadd.f32 v13, v9;
	v6 =	vadd.f32 v10, v6  }
0x15a: {  	v13 =	vld [tilespmem:s16+$0xDC00]  }
0x15b: {  	v10 =	vadd.f32 v11, v9;
	v9 =	vld [tilespmem:s15+$0xCE00];
	v11 =	vadd.f32 v8, v6  }
0x15c: {  	v8 =	vld [tilespmem:s16+$0xDE00]  }
0x15d: {  	v6 =	vld [tilespmem:s15+$0xD200];
	v12 =	vadd.f32 v12, v10;
	v15 =	vadd.f32 v7, v11  }
0x15e: {  	s17 =	sand.u32 $0x1F0, s17;
	v10 =	vld [tilespmem:s15+$0xD000]  }
0x15f: {  	s18 =	simm.s32 $0x30;
	v7 =	vld [tilespmem:s17+$0xC000];
	v11 =	vadd.f32 v14, v12;
	v12 =	vadd.f32 v13, v15  }
.LBB2_14:
0x160: {  	p0 =	sne.s32 s18, $0x1F0;
	v13 =	vld [tilespmem:s17+$0xC200]  }
0x161: {  	v9 =	vadd.f32 v9, v11;
	v11 =	vld [tilespmem:s15+$0xD400];
	v8 =	vadd.f32 v8, v12  }
0x162: {  	v12 =	vld [tilespmem:s17+$0xC400]  }
0x163: {  	v9 =	vadd.f32 v10, v9;
	v10 =	vld [tilespmem:s15+$0xD600];
	[tilespmem:s16+$0xE600] =	vst v8;
	s16 =	smov.u32 s15;
	s15 =	smov.u32 s17  }
0x164: {  	v8 =	vld [tilespmem:s15+$0xC600]  }
0x165: {  	v7 =	vadd.f32 v13, v7;
	v6 =	vadd.f32 v6, v9;
	v9 =	vld [tilespmem:s16+$0xD800]  }
0x166: {  	v13 =	vld [tilespmem:s15+$0xC800]  }
0x167: {  	v7 =	vadd.f32 v12, v7;
	v6 =	vadd.f32 v11, v6;
	v11 =	vld [tilespmem:s16+$0xDA00]  }
0x168: {  	v12 =	vld [tilespmem:s15+$0xCA00]  }
0x169: {  	v7 =	vadd.f32 v8, v7;
	v6 =	vadd.f32 v10, v6;
	v14 =	vld [tilespmem:s16+$0xDC00]  }
0x16a: {  	v15 =	vld [tilespmem:s15+$0xCC00]  }
.Ltmp6:
0x16b: {  	v7 =	vadd.f32 v13, v7;
	v10 =	vadd.f32 v9, v6;
	v8 =	vld [tilespmem:s16+$0xDE00];
	(pc) =	sbr.rel @p0 .LBB2_14-.Ltmp6, $4  }
0x16c: {  	v9 =	vld [tilespmem:s15+$0xCE00]  }
0x16d: {  	v12 =	vadd.f32 v12, v7;
	v6 =	vld [tilespmem:s15+$0xD200];
	v13 =	vadd.f32 v11, v10  }
0x16e: {  	s17 =	sand.u32 $0x1F0, s18;
	v10 =	vld [tilespmem:s15+$0xD000]  }
0x16f: {  	s18 =	sadd.s32 $0x10, s18;
	v7 =	vld [tilespmem:s17+$0xC000];
	v11 =	vadd.f32 v15, v12;
	v12 =	vadd.f32 v14, v13  }
0x170: {  	v13 =	vld [tilespmem:s17+$0xC200]  }
0x171: {  	v14 =	vld [tilespmem:s15+$0xD400];
	v8 =	vadd.f32 v8, v12  }
0x172: {  	v49 =	vld [tilespmem:s17+$0xC400]  }
0x173: {  	v15 =	vld [tilespmem:s15+$0xD600];
	v9 =	vadd.f32 v9, v11;
	[tilespmem:s16+$0xE600] =	vst v8  }
0x174: {  	v8 =	vld [tilespmem:s17+$0xC600]  }
0x175: {  	v9 =	vadd.f32 v10, v9;
	v7 =	vadd.f32 v13, v7  }
0x176: {  	v50 =	vld [tilespmem:s17+$0xC800]  }
0x177: {  	v51 =	vld [tilespmem:s15+$0xD800];
	v6 =	vadd.f32 v6, v9;
	v7 =	vadd.f32 v49, v7  }
0x178: {  	v52 =	vld [tilespmem:s17+$0xCA00]  }
0x179: {  	v53 =	vld [tilespmem:s15+$0xDA00];
	v6 =	vadd.f32 v14, v6;
	v7 =	vadd.f32 v8, v7  }
0x17a: {  	v54 =	vld [tilespmem:s17+$0xCC00]  }
0x17b: {  	v55 =	vld [tilespmem:s15+$0xDC00];
	v6 =	vadd.f32 v15, v6;
	v7 =	vadd.f32 v50, v7  }
0x17c: {  	v56 =	vld [tilespmem:s17+$0xCE00]  }
0x17d: {  	v57 =	vld [tilespmem:s15+$0xDE00];
	v6 =	vadd.f32 v51, v6;
	v7 =	vadd.f32 v52, v7  }
0x17e: {  	v58 =	vld [tilespmem:s17+$0xD000]  }
0x17f: {  	v6 =	vadd.f32 v53, v6;
	v7 =	vadd.f32 v54, v7  }
0x180: {  	v59 =	vld [tilespmem:s17+$0xD200]  }
0x181: {  	v6 =	vadd.f32 v55, v6;
	v7 =	vadd.f32 v56, v7  }
0x182: {  	v60 =	vld [tilespmem:s17+$0xD400]  }
0x183: {  	v6 =	vadd.f32 v57, v6;
	v7 =	vadd.f32 v58, v7  }
0x184: {  	v61 =	vld [tilespmem:s17+$0xD600]  }
0x185: {  	[tilespmem:s15+$0xE600] =	vst v6;
	v6 =	vadd.f32 v59, v7  }
0x186: {  	v7 =	vld [tilespmem:s17+$0xD800]  }
0x187: {  	v6 =	vadd.f32 v60, v6  }
0x188: {  	v62 =	vld [tilespmem:s17+$0xDA00]  }
0x189: {  	v6 =	vadd.f32 v61, v6  }
0x18a: {  	v63 =	vld [tilespmem:s17+$0xDC00]  }
0x18b: {  	v6 =	vadd.f32 v7, v6  }
0x18c: {  	v7 =	vld [tilespmem:s17+$0xDE00]  }
0x18d: {  	v6 =	vadd.f32 v62, v6;
	_ =	sdelay $0x1  }
0x18e: {  	v6 =	vadd.f32 v63, v6;
	_ =	sdelay $0x1  }
0x18f: {  	s14 =	sadd.s32 $0x1, s14;
	v6 =	vadd.f32 v7, v6  }
0x190: {  	p0 =	sne.s32 s14, s8  }
.Ltmp7:
0x191: {  	[tilespmem:s17+$0xE600] =	vst v6;
	(pc) =	sbr.rel @p0 .LBB2_1-.Ltmp7, $4  }
0x192: {  	[hbm4b:s7+s5] =	stream.linear.scatter [tilespmem:s13], [sflag:$0x1], $0x800, $0x38;
	[tilespmem:$0xE800] =	vst v63  }
0x193: {  	_ =	swait.ge [sflag:s9], $0x800  }
0x194: {  	[sflag:s9] =	ssyncset.done $0x0  }
0x195: {  	[sflag:s9] =	ssyncadd.s32 $0xFFFFF800  }
0x196: {  	_ =	sfence.sel $0x180000  }
0x197: {  	[bflag:$0x0] =	sbarrier.arrive $0xFFFF  }
0x198: {  	p0 =	sne.s32 s3, $0x0;
	_ =	strace $0x90000047  }
0x199: {  	s0 =	sadd.s32 @!p0 $0x100000, s0;
	[bflag:$0x2] =	sbarrier.arrive $0xFFFF  }
0x19a: {  	[sflag:s0] =	ssyncadd.tile.s32 @!p0 $0x1;
	_ =	shalt  }
.Lfunc_end2:
_tile_overlayer_lowered:
.L_overlay_start_2:
0x19b: {  	(tag) =	ssettag $0x2  }
0x19c: {  	s0 =	rddreg [dreg:$0x0];
	s2 =	stileid.u32  }
0x19d: {  	s1 =	rddreg [dreg:$0x1];
	p0 =	sne.s32 s2, $0x0  }
0x19e: {  	s3 =	rddreg [dreg:$0x2];
	[bflag:$0x3] =	sbarrier.arrive $0xFFFF;
	s2 =	simm.s32 @!p0 $0x1C01  }
0x19f: {  	[timem:s3], [sflag:s2] =	dma.local @!p0 [hbm:s0], s1  }
0x1a0: {  	s0 =	simm.s32 @!p0 $0x1  }
0x1a1: {  	_ =	swait.ge @!p0 [sflag:s0], s1  }
0x1a2: {  	s1 =	ssub.s32 @!p0 $0x0, s1;
	[sflag:s0] =	ssyncset.done @!p0 $0x0  }
0x1a3: {  	[sflag:s0] =	ssyncadd.s32 @!p0 s1  }
0x1a4: {  	[bflag:$0x3] =	sbarrier.arrive $0xFFFF  }
0x1a5: {  	_ =	shalt  }

</sc_bundles>
